<compile_context>
chip_gen: v7x
topology: tpu7x:2x2x1
jax: 0.10.2.dev20260603
libtpu: 0.0.44.dev20260713+nightly
codegen_flags: <defaults>
</compile_context>

<pallas_src>
import functools

import jax
import jax.numpy as jnp
from jax import lax
from jax.experimental import pallas as pl
from jax.experimental.pallas import tpu as pltpu
from jax.experimental.pallas import tpu_sc as plsc

EPS = 1e-15
MAXN = 1.0 - 1e-5


def _norm(x):
    return jnp.sqrt(jnp.clip(jnp.sum(x * x, axis=-1, keepdims=True), EPS))


def _artanh(x):
    x = jnp.clip(x, -1.0 + 1e-7, 1.0 - 1e-7)
    return 0.5 * (jnp.log1p(x) - jnp.log1p(-x))


def _expmap0(u):
    n = _norm(u)
    return jnp.tanh(n) * u / n


def _logmap0(p):
    n = _norm(p)
    return _artanh(n) * p / n


def _proj(x):
    n = _norm(x)
    return jnp.where(n > MAXN, x / n * MAXN, x)


def _mobius_matvec(x, wt):
    xn = _norm(x)
    mx = jnp.dot(x, wt, preferred_element_type=jnp.float32)
    mxn = _norm(mx)
    return jnp.tanh(mxn / xn * _artanh(xn)) * mx / mxn


def _mobius_add(x, y):
    x2 = jnp.sum(x * x, -1, keepdims=True)
    y2 = jnp.sum(y * y, -1, keepdims=True)
    xy = jnp.sum(x * y, -1, keepdims=True)
    num = (1.0 + 2.0 * xy + y2) * x + (1.0 - x2) * y
    den = 1.0 + 2.0 * xy + x2 * y2
    return num / jnp.clip(den, EPS)


def _hyp_linear(h, wt, b_row):
    h = _proj(_mobius_matvec(h, wt))
    hb = _proj(_expmap0(b_row))
    return _proj(_mobius_add(h, hb))


def _write_halves(out_ref, t):
    hw = out_ref.shape[2]
    for h in range(2):
        out_ref[h, :, :] = t[:, h * hw:(h + 1) * hw].astype(jnp.bfloat16)


def _read_halves(s_ref, deg_ref):
    s = jnp.concatenate([s_ref[0, :, :], s_ref[1, :, :]],
                        axis=-1).astype(jnp.float32)
    deg = jnp.maximum(deg_ref[...], 1.0)
    return s / deg




def _clampnorm(t, nt, a):
    return t * jnp.minimum(1.0, a / nt)


def _linear_logmap(h, xn, axn, wt, b_row):
    mx = jnp.dot(h, wt, preferred_element_type=jnp.float32)
    mxn = _norm(mx)
    tn = jnp.tanh(mxn / xn * axn)
    h = tn * mx / mxn
    h = h * jnp.minimum(1.0, MAXN / jnp.abs(tn))
    hb = _proj(_expmap0(b_row))
    z = _mobius_add(h, hb)
    zn = _norm(z)
    return _artanh(jnp.minimum(zn, MAXN)) * z / zn


def _stage_a_body(x_ref, wt_ref, b_ref, out_ref):
    x = x_ref[...]
    nx = _norm(x)
    h = _proj(_expmap0(x))
    xn = jnp.minimum(jnp.tanh(nx), MAXN)
    axn = _artanh(xn)
    t = _linear_logmap(h, xn, axn, wt_ref[...], b_ref[...])
    _write_halves(out_ref, t)


def _stage_c_body(s_ref, deg_ref, wt_ref, b_ref, out_ref):
    a = _artanh(jnp.float32(MAXN))
    t = _read_halves(s_ref, deg_ref)
    t = jax.nn.relu(_clampnorm(t, _norm(t), a))
    nt = _norm(t)
    h = t * (jnp.minimum(jnp.tanh(nt), MAXN) / nt)
    xn = jnp.minimum(jnp.tanh(nt), MAXN)
    axn = jnp.minimum(nt, a)
    t = _linear_logmap(h, xn, axn, wt_ref[...], b_ref[...])
    _write_halves(out_ref, t)


def _stage_e_body(s_ref, deg_ref, out_ref):
    a = _artanh(jnp.float32(MAXN))
    t = _read_halves(s_ref, deg_ref)
    t = jax.nn.relu(_clampnorm(t, _norm(t), a))
    nt = _norm(t)
    out_ref[...] = t * (jnp.minimum(jnp.tanh(nt), MAXN) / nt)


def _tc_stage_a(x, wt, b_row, block_rows):
    n, d = x.shape
    grid = (n // block_rows,)
    return pl.pallas_call(
        _stage_a_body,
        grid=grid,
        in_specs=[
            pl.BlockSpec((block_rows, d), lambda i: (i, 0)),
            pl.BlockSpec((d, d), lambda i: (0, 0)),
            pl.BlockSpec((1, d), lambda i: (0, 0)),
        ],
        out_specs=pl.BlockSpec((2, block_rows, d // 2), lambda i: (0, i, 0)),
        out_shape=jax.ShapeDtypeStruct((2, n, d // 2), jnp.bfloat16),
    )(x, wt, b_row)


def _tc_stage_c(s_h, deg, wt, b_row, block_rows):
    _, n, hw = s_h.shape
    d = 2 * hw
    grid = (n // block_rows,)
    return pl.pallas_call(
        _stage_c_body,
        grid=grid,
        in_specs=[
            pl.BlockSpec((2, block_rows, hw), lambda i: (0, i, 0)),
            pl.BlockSpec((block_rows, 1), lambda i: (i, 0)),
            pl.BlockSpec((d, d), lambda i: (0, 0)),
            pl.BlockSpec((1, d), lambda i: (0, 0)),
        ],
        out_specs=pl.BlockSpec((2, block_rows, hw), lambda i: (0, i, 0)),
        out_shape=jax.ShapeDtypeStruct((2, n, hw), jnp.bfloat16),
    )(s_h, deg, wt, b_row)


def _tc_stage_e(s_h, deg, block_rows):
    _, n, hw = s_h.shape
    d = 2 * hw
    grid = (n // block_rows,)
    return pl.pallas_call(
        _stage_e_body,
        grid=grid,
        in_specs=[
            pl.BlockSpec((2, block_rows, hw), lambda i: (0, i, 0)),
            pl.BlockSpec((block_rows, 1), lambda i: (i, 0)),
        ],
        out_specs=pl.BlockSpec((block_rows, d), lambda i: (i, 0)),
        out_shape=jax.ShapeDtypeStruct((n, d), jnp.float32),
    )(s_h, deg)



_LB = 128
_NS = 16
_DEGW = 16
_NB = 4
_GA = 3


@functools.partial(jax.jit,
                   static_argnames=("n", "hw", "cpt", "zpt", "has_deg"))
def _sc_aggregate(th, src_all, dst2, zacc, zdeg, oneh, *, n, hw, cpt, zpt,
                  has_deg):
    nacc = zpt * _NS
    mesh = plsc.VectorSubcoreMesh(core_axis_name="c", subcore_axis_name="s")

    @functools.partial(
        pl.kernel,
        mesh=mesh,
        out_type=[
            jax.ShapeDtypeStruct((2 * n, hw), jnp.bfloat16),
            jax.ShapeDtypeStruct((nacc, _DEGW), jnp.float32),
        ],
        scratch_types=[
            pltpu.VMEM((cpt, _LB), jnp.int32),
            pltpu.VMEM((cpt, _LB), jnp.int32),
            pltpu.VMEM((_NB, _LB, hw), jnp.bfloat16),
            pltpu.VMEM((_LB, _DEGW), jnp.float32),
            pltpu.VMEM_SHARED((nacc, hw), jnp.bfloat16),
            pltpu.VMEM_SHARED((nacc, _DEGW), jnp.float32),
            [pltpu.SemaphoreType.DMA] * _NB,
            [pltpu.SemaphoreType.DMA] * _NB,
        ],
        compiler_params=pltpu.CompilerParams(use_tc_tiling_on_sc=False,
                                             needs_layout_passes=False),
    )
    def agg(th_hbm, src_hbm, dst_hbm, zacc_hbm, zdeg_hbm, oneh_hbm,
            out_hbm, deg_hbm, src_idx_v, dst_idx_v, rows_v, ones_v,
            acc_sh, deg_sh, sg, ss):
        c = lax.axis_index("c")
        s = lax.axis_index("s")
        ch = cpt * _NS

        pltpu.sync_copy(src_hbm.at[pl.ds(c * ch + s * cpt, cpt)], src_idx_v)
        pltpu.sync_copy(dst_hbm.at[pl.ds(s * cpt, cpt)], dst_idx_v)
        if has_deg:
            pltpu.sync_copy(oneh_hbm, ones_v)

        pltpu.sync_copy(zacc_hbm, acc_sh.at[pl.ds(s * zpt, zpt)])
        if has_deg:
            @pl.when(c == 0)
            def _():
                pltpu.sync_copy(zdeg_hbm, deg_sh.at[pl.ds(s * zpt, zpt)])

        plsc.subcore_barrier()

        def gather(jj, b):
            return pltpu.async_copy(th_hbm.at[src_idx_v.at[jj]],
                                    rows_v.at[b], sg[b])

        def wait_gather(b):
            pltpu.make_async_copy(th_hbm.at[src_idx_v.at[0]],
                                  rows_v.at[b], sg[b]).wait()

        def wait_scatter(b):
            pltpu.make_async_copy(rows_v.at[b],
                                  acc_sh.at[dst_idx_v.at[0]], ss[b]).wait()

        for jj in range(_GA):
            gather(jj, jj % _NB)

        def ring(j4, carry):
            for b4 in range(_NB):
                jj = j4 * _NB + b4
                b = b4
                bn = (b4 + _GA) % _NB

                @pl.when(jj + _GA < cpt)
                def _():
                    @pl.when(jj + _GA >= _NB)
                    def _():
                        wait_scatter(bn)

                    gather(jj + _GA, bn)

                wait_gather(b)
                pltpu.async_copy(rows_v.at[b], acc_sh.at[dst_idx_v.at[jj]],
                                 ss[b], add=True)

                if has_deg:
                    @pl.when(c == 0)
                    def _():
                        pltpu.sync_copy(ones_v, deg_sh.at[dst_idx_v.at[jj]],
                                        add=True)

            return carry

        lax.fori_loop(0, cpt // _NB, ring, 0)

        for b in range(_NB):
            wait_scatter(b)

        plsc.subcore_barrier()

        opt = n // _NS
        pltpu.sync_copy(acc_sh.at[pl.ds(s * opt, opt)],
                        out_hbm.at[pl.ds(c * n + s * opt, opt)])

        if has_deg:
            @pl.when(c == 0)
            def _():
                pltpu.sync_copy(deg_sh.at[pl.ds(s * zpt, zpt)],
                                deg_hbm.at[pl.ds(s * zpt, zpt)])

    return agg(th, src_all, dst2, zacc, zdeg, oneh)



def kernel(x, edge_index, W1, b1, W2, b2):
    n, d = x.shape
    e = edge_index.shape[1]
    hw = d // 2
    block_rows = 2000 if n % 2000 == 0 else 16

    src = edge_index[0].astype(jnp.int32)
    dst = edge_index[1].astype(jnp.int32)

    epb = _LB * _NS * 8
    epad = ((e + epb - 1) // epb) * epb
    src_p = jnp.concatenate([src, jnp.zeros((epad - e,), jnp.int32)])
    dst_p = jnp.concatenate([dst, jnp.full((epad - e,), n, jnp.int32)])
    ch = epad // _LB
    cpt = ch // _NS
    src2 = src_p.reshape(ch, _LB)
    src_all = jnp.concatenate([src2, src2 + n], axis=0)
    dst2 = dst_p.reshape(ch, _LB)

    zpt = ((n + 1 + _NS - 1) // _NS + 7) // 8 * 8

    zacc = jnp.zeros((zpt, hw), jnp.bfloat16)
    zdeg = jnp.zeros((zpt, _DEGW), jnp.float32)
    oneh = jnp.ones((_LB, _DEGW), jnp.float32)

    wt1 = W1.T
    wt2 = W2.T
    b1r = b1.reshape(1, d)
    b2r = b2.reshape(1, d)

    t1 = _tc_stage_a(x, wt1, b1r, block_rows)
    s1_flat, deg_raw = _sc_aggregate(
        t1.reshape(2 * n, hw), src_all, dst2, zacc, zdeg, oneh,
        n=n, hw=hw, cpt=cpt, zpt=zpt, has_deg=True)
    deg = deg_raw[:n, 0:1]
    s1 = s1_flat.reshape(2, n, hw)

    t2 = _tc_stage_c(s1, deg, wt2, b2r, block_rows)
    s2_flat, _ = _sc_aggregate(
        t2.reshape(2 * n, hw), src_all, dst2, zacc, zdeg, oneh,
        n=n, hw=hw, cpt=cpt, zpt=zpt, has_deg=False)
    s2 = s2_flat.reshape(2, n, hw)

    return _tc_stage_e(s2, deg, block_rows)

# --- scband reference (transcript-rebuilt; emitter-appended) ---
"""Pipeline reference for scband-hgcn-22136261444127 (READ-ONLY COPY).

The authoritative reference and input builder live on the scoring server;
editing this copy changes nothing except your own understanding.
"""

import jax, jax.numpy as jnp
import numpy as np

EPS = 1e-15

def _artanh(x):
    x = jnp.clip(x, -1.0 + 1e-7, 1.0 - 1e-7)
    return 0.5 * (jnp.log1p(x) - jnp.log1p(-x))

def _norm(x):
    return jnp.sqrt(jnp.clip(jnp.sum(x * x, axis=-1, keepdims=True), EPS))

def expmap0(u, c):
    sc = jnp.sqrt(c)
    n = _norm(u)
    return jnp.tanh(sc * n) * u / (sc * n)

def logmap0(p, c):
    sc = jnp.sqrt(c)
    n = _norm(p)
    return _artanh(sc * n) * p / (sc * n)

def proj(x, c):
    n = _norm(x)
    maxn = (1.0 - 1e-5) / jnp.sqrt(c)
    return jnp.where(n > maxn, x / n * maxn, x)

def mobius_add(x, y, c):
    x2 = jnp.sum(x * x, -1, keepdims=True)
    y2 = jnp.sum(y * y, -1, keepdims=True)
    xy = jnp.sum(x * y, -1, keepdims=True)
    num = (1.0 + 2.0 * c * xy + c * y2) * x + (1.0 - c * x2) * y
    den = 1.0 + 2.0 * c * xy + c * c * x2 * y2
    return num / jnp.clip(den, EPS)

def mobius_matvec(W, x, c):
    sc = jnp.sqrt(c)
    xn = _norm(x)
    mx = x @ W.T
    mxn = _norm(mx)
    return jnp.tanh(mxn / xn * _artanh(sc * xn)) * mx / (mxn * sc)

def setup_inputs(seed: int = 0):
    key = jax.random.key(seed)
    k1, k2, k3, k4, k5, k6 = jax.random.split(key, 6)
    N, E, D, H = 10000, 160000, 256, 256
    x = jax.random.normal(k1, (N, D), dtype=jnp.float32)
    edge_index = jax.random.randint(k2, (2, E), 0, N, dtype=jnp.int64)
    W1 = jax.random.normal(k3, (H, D), dtype=jnp.float32) * 0.05
    b1 = jax.random.normal(k4, (H,), dtype=jnp.float32) * 0.01
    W2 = jax.random.normal(k5, (H, H), dtype=jnp.float32) * 0.05
    b2 = jax.random.normal(k6, (H,), dtype=jnp.float32) * 0.01
    return {"x": x, "edge_index": edge_index, "W1": W1, "b1": b1, "W2": W2, "b2": b2}

def reference(x, edge_index, W1, b1, W2, b2):
    c = 1.0
    N = x.shape[0]
    src = edge_index[0]
    dst = edge_index[1]
    ones = jnp.ones((src.shape[0],), dtype=x.dtype)
    deg = jnp.clip(jax.ops.segment_sum(ones, dst, num_segments=N), 1.0)

    def agg(t):
        msgs = jnp.take(t, src, axis=0)
        s = jax.ops.segment_sum(msgs, dst, num_segments=N)
        return s / deg[:, None]

    def hgcn_layer(h, W, b):
        # HypLinear: mobius matvec + hyperbolic bias
        h = proj(mobius_matvec(W, h, c), c)
        hb = proj(expmap0(b[None, :], c), c)
        h = proj(mobius_add(h, hb, c), c)
        # HypAgg: aggregate in tangent space at origin
        t = logmap0(h, c)
        t = agg(t)
        h = proj(expmap0(t, c), c)
        # HypAct: relu in tangent space
        t = jax.nn.relu(logmap0(h, c))
        h = proj(expmap0(t, c), c)
        return h

    # encode: map euclidean features onto the Poincare ball
    h = proj(expmap0(x, c), c)
    h = hgcn_layer(h, W1, b1)
    y = hgcn_layer(h, W2, b2)
    return y

if __name__ == "__main__":
    import jax
    _d = setup_inputs()
    print(jax.jit(kernel)(*tuple(_d.values())))

</pallas_src>

<mosaic_0001>
#map = affine_map<(d0, d1) -> (0, 0)>
module attributes {stable_mosaic.version = 14 : i64} {
  func.func @agg(%arg0: i32, %arg1: i32, %arg2: memref<20000x128xbf16, #tpu.memory_space<hbm>>, %arg3: memref<2560x128xi32, #tpu.memory_space<hbm>>, %arg4: memref<1280x128xi32, #tpu.memory_space<hbm>>, %arg5: memref<632x128xbf16, #tpu.memory_space<hbm>>, %arg6: memref<632x16xf32, #tpu.memory_space<hbm>>, %arg7: memref<128x16xf32, #tpu.memory_space<hbm>>, %arg8: memref<20000x128xbf16, #tpu.memory_space<hbm>>, %arg9: memref<10112x16xf32, #tpu.memory_space<hbm>>, %arg10: memref<80x128xi32, #tpu.memory_space<vmem>>, %arg11: memref<80x128xi32, #tpu.memory_space<vmem>>, %arg12: memref<4x128x128xbf16, #tpu.memory_space<vmem>>, %arg13: memref<128x16xf32, #tpu.memory_space<vmem>>, %arg14: memref<10112x128xbf16, #tpu.memory_space<vmem_shared>>, %arg15: memref<10112x16xf32, #tpu.memory_space<vmem_shared>>, %arg16: memref<!tpu.dma_semaphore, #tpu.memory_space<semaphore_mem>>, %arg17: memref<!tpu.dma_semaphore, #tpu.memory_space<semaphore_mem>>, %arg18: memref<!tpu.dma_semaphore, #tpu.memory_space<semaphore_mem>>, %arg19: memref<!tpu.dma_semaphore, #tpu.memory_space<semaphore_mem>>, %arg20: memref<!tpu.dma_semaphore, #tpu.memory_space<semaphore_mem>>, %arg21: memref<!tpu.dma_semaphore, #tpu.memory_space<semaphore_mem>>, %arg22: memref<!tpu.dma_semaphore, #tpu.memory_space<semaphore_mem>>, %arg23: memref<!tpu.dma_semaphore, #tpu.memory_space<semaphore_mem>>) attributes {dimension_semantics = [#tpu.dimension_semantics<core_parallel>, #tpu.dimension_semantics<subcore_parallel>], iteration_bounds = array<i64: 2, 16>, scalar_prefetch = 0 : i64, scratch_operands = 14 : i64, tpu.core_type = #tpu.core_type<sc_vector_subcore>, window_params = [{transform_indices = #map}, {transform_indices = #map}, {transform_indices = #map}, {transform_indices = #map}, {transform_indices = #map}, {transform_indices = #map}, {transform_indices = #map}, {transform_indices = #map}]} {
    %mul3A = arith.constant 1280 : i32
    %mul3A_0 = arith.muli %arg0, %mul3A : i32
    %mul3A_1 = arith.constant 80 : i32
    %mul3A_2 = arith.muli %arg1, %mul3A_1 : i32
    %add3A = arith.addi %mul3A_0, %mul3A_2 : i32
    "tpu.region"() ({
      %run_scoped3A = tpu.sem_alloc : memref<!tpu.dma_semaphore, #tpu.memory_space<semaphore_mem>>
      %dma_start3A_109 = arith.constant 0 : i32
      %dma_start3A_110 = tpu.memref_slice %arg3[%add3A, %dma_start3A_109] : memref<2560x128xi32, #tpu.memory_space<hbm>> -> memref<80x128xi32, #tpu.memory_space<hbm>>
      %dma_start3A_111 = arith.constant 0 : i32
      %dma_start3A_112 = tpu.memref_slice %arg3[%add3A, %dma_start3A_111] : memref<2560x128xi32, #tpu.memory_space<hbm>> -> memref<80x128xi32, #tpu.memory_space<hbm>>
      tpu.enqueue_dma source(%dma_start3A_112 : memref<80x128xi32, #tpu.memory_space<hbm>>) target(%arg10 : memref<80x128xi32, #tpu.memory_space<vmem>>) target_semaphore(%run_scoped3A : memref<!tpu.dma_semaphore, #tpu.memory_space<semaphore_mem>>)
      %dma_wait3A_113 = arith.constant 0 : i32
      %dma_wait3A_114 = tpu.memref_slice %arg3[%add3A, %dma_wait3A_113] : memref<2560x128xi32, #tpu.memory_space<hbm>> -> memref<80x128xi32, #tpu.memory_space<hbm>>
      %dma_wait3A_115 = arith.constant 0 : i32
      %dma_wait3A_116 = tpu.memref_slice %arg3[%add3A, %dma_wait3A_115] : memref<2560x128xi32, #tpu.memory_space<hbm>> -> memref<80x128xi32, #tpu.memory_space<hbm>>
      tpu.wait_dma2 semaphore(%run_scoped3A : memref<!tpu.dma_semaphore, #tpu.memory_space<semaphore_mem>>) src(%dma_wait3A_116 : memref<80x128xi32, #tpu.memory_space<hbm>>) dst(%arg10 : memref<80x128xi32, #tpu.memory_space<vmem>>)
      tpu.yield
    }) : () -> ()
    %mul3A_3 = arith.constant 80 : i32
    %mul3A_4 = arith.muli %arg1, %mul3A_3 : i32
    "tpu.region"() ({
      %run_scoped3A = tpu.sem_alloc : memref<!tpu.dma_semaphore, #tpu.memory_space<semaphore_mem>>
      %dma_start3A_109 = arith.constant 0 : i32
      %dma_start3A_110 = tpu.memref_slice %arg4[%mul3A_4, %dma_start3A_109] : memref<1280x128xi32, #tpu.memory_space<hbm>> -> memref<80x128xi32, #tpu.memory_space<hbm>>
      %dma_start3A_111 = arith.constant 0 : i32
      %dma_start3A_112 = tpu.memref_slice %arg4[%mul3A_4, %dma_start3A_111] : memref<1280x128xi32, #tpu.memory_space<hbm>> -> memref<80x128xi32, #tpu.memory_space<hbm>>
      tpu.enqueue_dma source(%dma_start3A_112 : memref<80x128xi32, #tpu.memory_space<hbm>>) target(%arg11 : memref<80x128xi32, #tpu.memory_space<vmem>>) target_semaphore(%run_scoped3A : memref<!tpu.dma_semaphore, #tpu.memory_space<semaphore_mem>>)
      %dma_wait3A_113 = arith.constant 0 : i32
      %dma_wait3A_114 = tpu.memref_slice %arg4[%mul3A_4, %dma_wait3A_113] : memref<1280x128xi32, #tpu.memory_space<hbm>> -> memref<80x128xi32, #tpu.memory_space<hbm>>
      %dma_wait3A_115 = arith.constant 0 : i32
      %dma_wait3A_116 = tpu.memref_slice %arg4[%mul3A_4, %dma_wait3A_115] : memref<1280x128xi32, #tpu.memory_space<hbm>> -> memref<80x128xi32, #tpu.memory_space<hbm>>
      tpu.wait_dma2 semaphore(%run_scoped3A : memref<!tpu.dma_semaphore, #tpu.memory_space<semaphore_mem>>) src(%dma_wait3A_116 : memref<80x128xi32, #tpu.memory_space<hbm>>) dst(%arg11 : memref<80x128xi32, #tpu.memory_space<vmem>>)
      tpu.yield
    }) : () -> ()
    "tpu.region"() ({
      %run_scoped3A = tpu.sem_alloc : memref<!tpu.dma_semaphore, #tpu.memory_space<semaphore_mem>>
      tpu.enqueue_dma source(%arg7 : memref<128x16xf32, #tpu.memory_space<hbm>>) target(%arg13 : memref<128x16xf32, #tpu.memory_space<vmem>>) target_semaphore(%run_scoped3A : memref<!tpu.dma_semaphore, #tpu.memory_space<semaphore_mem>>)
      tpu.wait_dma2 semaphore(%run_scoped3A : memref<!tpu.dma_semaphore, #tpu.memory_space<semaphore_mem>>) src(%arg7 : memref<128x16xf32, #tpu.memory_space<hbm>>) dst(%arg13 : memref<128x16xf32, #tpu.memory_space<vmem>>)
      tpu.yield
    }) : () -> ()
    %mul3A_5 = arith.constant 632 : i32
    %mul3A_6 = arith.muli %arg1, %mul3A_5 : i32
    "tpu.region"() ({
      %run_scoped3A = tpu.sem_alloc : memref<!tpu.dma_semaphore, #tpu.memory_space<semaphore_mem>>
      %dma_start3A_109 = arith.constant 0 : i32
      %dma_start3A_110 = tpu.memref_slice %arg14[%mul3A_6, %dma_start3A_109] : memref<10112x128xbf16, #tpu.memory_space<vmem_shared>> -> memref<632x128xbf16, #tpu.memory_space<vmem_shared>>
      tpu.enqueue_dma source(%arg5 : memref<632x128xbf16, #tpu.memory_space<hbm>>) target(%dma_start3A_110 : memref<632x128xbf16, #tpu.memory_space<vmem_shared>>) target_semaphore(%run_scoped3A : memref<!tpu.dma_semaphore, #tpu.memory_space<semaphore_mem>>)
      %dma_wait3A_111 = arith.constant 0 : i32
      %dma_wait3A_112 = tpu.memref_slice %arg14[%mul3A_6, %dma_wait3A_111] : memref<10112x128xbf16, #tpu.memory_space<vmem_shared>> -> memref<632x128xbf16, #tpu.memory_space<vmem_shared>>
      tpu.wait_dma2 semaphore(%run_scoped3A : memref<!tpu.dma_semaphore, #tpu.memory_space<semaphore_mem>>) src(%arg5 : memref<632x128xbf16, #tpu.memory_space<hbm>>) dst(%dma_wait3A_112 : memref<632x128xbf16, #tpu.memory_space<vmem_shared>>)
      tpu.yield
    }) : () -> ()
    %eq3A = arith.constant 0 : i32
    %eq3A_7 = arith.cmpi eq, %arg0, %eq3A : i32
    %convert_element_type3A = arith.extui %eq3A_7 : i1 to i32
    %cond3A = arith.constant 0 : i32
    %cond3A_8 = arith.cmpi ne, %convert_element_type3A, %cond3A : i32
    scf.if %cond3A_8 {
      %mul3A_109 = arith.constant 632 : i32
      %mul3A_110 = arith.muli %arg1, %mul3A_109 : i32
      "tpu.region"() ({
        %run_scoped3A = tpu.sem_alloc : memref<!tpu.dma_semaphore, #tpu.memory_space<semaphore_mem>>
        %dma_start3A_111 = arith.constant 0 : i32
        %dma_start3A_112 = tpu.memref_slice %arg15[%mul3A_110, %dma_start3A_111] : memref<10112x16xf32, #tpu.memory_space<vmem_shared>> -> memref<632x16xf32, #tpu.memory_space<vmem_shared>>
        tpu.enqueue_dma source(%arg6 : memref<632x16xf32, #tpu.memory_space<hbm>>) target(%dma_start3A_112 : memref<632x16xf32, #tpu.memory_space<vmem_shared>>) target_semaphore(%run_scoped3A : memref<!tpu.dma_semaphore, #tpu.memory_space<semaphore_mem>>)
        %dma_wait3A_113 = arith.constant 0 : i32
        %dma_wait3A_114 = tpu.memref_slice %arg15[%mul3A_110, %dma_wait3A_113] : memref<10112x16xf32, #tpu.memory_space<vmem_shared>> -> memref<632x16xf32, #tpu.memory_space<vmem_shared>>
        tpu.wait_dma2 semaphore(%run_scoped3A : memref<!tpu.dma_semaphore, #tpu.memory_space<semaphore_mem>>) src(%arg6 : memref<632x16xf32, #tpu.memory_space<hbm>>) dst(%dma_wait3A_114 : memref<632x16xf32, #tpu.memory_space<vmem_shared>>)
        tpu.yield
      }) : () -> ()
    } else {
    }
    %barrier3A = arith.constant 0 : index
    tpu.barrier barrier_id(%barrier3A)
    %dma_start3A = arith.constant 0 : i32
    %dma_start3A_9 = arith.constant 0 : i32
    %dma_start3A_10 = arith.constant 0 : i32
    %dma_start3A_11 = arith.constant 0 : i32
    %dma_start3A_12 = tpu.memref_slice %arg12[%dma_start3A_9, %dma_start3A_10, %dma_start3A_11] : memref<4x128x128xbf16, #tpu.memory_space<vmem>> -> memref<1x128x128xbf16, #tpu.memory_space<vmem>>
    %dma_start3A_13 = tpu.memref_squeeze %dma_start3A_12 : memref<1x128x128xbf16, #tpu.memory_space<vmem>> -> memref<128x128xbf16, #tpu.memory_space<vmem>>
    %dma_start3A_14 = arith.constant 0 : i32
    %dma_start3A_15 = tpu.memref_slice %arg10[%dma_start3A, %dma_start3A_14] : memref<80x128xi32, #tpu.memory_space<vmem>> -> memref<1x128xi32, #tpu.memory_space<vmem>>
    %dma_start3A_16 = tpu.memref_squeeze %dma_start3A_15 : memref<1x128xi32, #tpu.memory_space<vmem>> -> memref<128xi32, #tpu.memory_space<vmem>>
    %dma_start3A_17 = arith.constant 0 : i32
    %dma_start3A_18 = arith.constant 0 : i32
    %dma_start3A_19 = tpu.memref_slice %arg2[%dma_start3A_17, %dma_start3A_18] : memref<20000x128xbf16, #tpu.memory_space<hbm>> -> memref<20000x128xbf16, #tpu.memory_space<hbm>>
    tpu.enqueue_indirect_dma source(%dma_start3A_19 : memref<20000x128xbf16, #tpu.memory_space<hbm>>) target(%dma_start3A_13 : memref<128x128xbf16, #tpu.memory_space<vmem>>) offsets(%dma_start3A_16 : memref<128xi32, #tpu.memory_space<vmem>>) semaphore(%arg16 : memref<!tpu.dma_semaphore, #tpu.memory_space<semaphore_mem>>)
    %dma_start3A_20 = arith.constant 1 : i32
    %dma_start3A_21 = arith.constant 1 : i32
    %dma_start3A_22 = arith.constant 0 : i32
    %dma_start3A_23 = arith.constant 0 : i32
    %dma_start3A_24 = tpu.memref_slice %arg12[%dma_start3A_21, %dma_start3A_22, %dma_start3A_23] : memref<4x128x128xbf16, #tpu.memory_space<vmem>> -> memref<1x128x128xbf16, #tpu.memory_space<vmem>>
    %dma_start3A_25 = tpu.memref_squeeze %dma_start3A_24 : memref<1x128x128xbf16, #tpu.memory_space<vmem>> -> memref<128x128xbf16, #tpu.memory_space<vmem>>
    %dma_start3A_26 = arith.constant 0 : i32
    %dma_start3A_27 = tpu.memref_slice %arg10[%dma_start3A_20, %dma_start3A_26] : memref<80x128xi32, #tpu.memory_space<vmem>> -> memref<1x128xi32, #tpu.memory_space<vmem>>
    %dma_start3A_28 = tpu.memref_squeeze %dma_start3A_27 : memref<1x128xi32, #tpu.memory_space<vmem>> -> memref<128xi32, #tpu.memory_space<vmem>>
    %dma_start3A_29 = arith.constant 0 : i32
    %dma_start3A_30 = arith.constant 0 : i32
    %dma_start3A_31 = tpu.memref_slice %arg2[%dma_start3A_29, %dma_start3A_30] : memref<20000x128xbf16, #tpu.memory_space<hbm>> -> memref<20000x128xbf16, #tpu.memory_space<hbm>>
    tpu.enqueue_indirect_dma source(%dma_start3A_31 : memref<20000x128xbf16, #tpu.memory_space<hbm>>) target(%dma_start3A_25 : memref<128x128xbf16, #tpu.memory_space<vmem>>) offsets(%dma_start3A_28 : memref<128xi32, #tpu.memory_space<vmem>>) semaphore(%arg17 : memref<!tpu.dma_semaphore, #tpu.memory_space<semaphore_mem>>)
    %dma_start3A_32 = arith.constant 2 : i32
    %dma_start3A_33 = arith.constant 2 : i32
    %dma_start3A_34 = arith.constant 0 : i32
    %dma_start3A_35 = arith.constant 0 : i32
    %dma_start3A_36 = tpu.memref_slice %arg12[%dma_start3A_33, %dma_start3A_34, %dma_start3A_35] : memref<4x128x128xbf16, #tpu.memory_space<vmem>> -> memref<1x128x128xbf16, #tpu.memory_space<vmem>>
    %dma_start3A_37 = tpu.memref_squeeze %dma_start3A_36 : memref<1x128x128xbf16, #tpu.memory_space<vmem>> -> memref<128x128xbf16, #tpu.memory_space<vmem>>
    %dma_start3A_38 = arith.constant 0 : i32
    %dma_start3A_39 = tpu.memref_slice %arg10[%dma_start3A_32, %dma_start3A_38] : memref<80x128xi32, #tpu.memory_space<vmem>> -> memref<1x128xi32, #tpu.memory_space<vmem>>
    %dma_start3A_40 = tpu.memref_squeeze %dma_start3A_39 : memref<1x128xi32, #tpu.memory_space<vmem>> -> memref<128xi32, #tpu.memory_space<vmem>>
    %dma_start3A_41 = arith.constant 0 : i32
    %dma_start3A_42 = arith.constant 0 : i32
    %dma_start3A_43 = tpu.memref_slice %arg2[%dma_start3A_41, %dma_start3A_42] : memref<20000x128xbf16, #tpu.memory_space<hbm>> -> memref<20000x128xbf16, #tpu.memory_space<hbm>>
    tpu.enqueue_indirect_dma source(%dma_start3A_43 : memref<20000x128xbf16, #tpu.memory_space<hbm>>) target(%dma_start3A_37 : memref<128x128xbf16, #tpu.memory_space<vmem>>) offsets(%dma_start3A_40 : memref<128xi32, #tpu.memory_space<vmem>>) semaphore(%arg18 : memref<!tpu.dma_semaphore, #tpu.memory_space<semaphore_mem>>)
    %scan3A = arith.constant 0 : i32
    %scan3A_44 = arith.constant 0 : i32
    %scan3A_45 = arith.constant 20 : i32
    %scan3A_46 = arith.addi %scan3A_44, %scan3A_45 : i32
    %scan3A_47 = arith.constant 1 : i32
    scf.for %scan3A_109 = %scan3A_44 to %scan3A_46 step %scan3A_47  : i32 {
      %mul3A_110 = arith.constant 4 : i32
      %mul3A_111 = arith.muli %scan3A_109, %mul3A_110 : i32
      %add3A_112 = arith.constant 0 : i32
      %add3A_113 = arith.addi %mul3A_111, %add3A_112 : i32
      %add3A_114 = arith.constant 3 : i32
      %add3A_115 = arith.addi %add3A_113, %add3A_114 : i32
      %lt3A = arith.constant 80 : i32
      %lt3A_116 = arith.cmpi slt, %add3A_115, %lt3A : i32
      %convert_element_type3A_117 = arith.extui %lt3A_116 : i1 to i32
      %cond3A_118 = arith.constant 0 : i32
      %cond3A_119 = arith.cmpi ne, %convert_element_type3A_117, %cond3A_118 : i32
      scf.if %cond3A_119 {
        %add3A_265 = arith.constant 3 : i32
        %add3A_266 = arith.addi %add3A_113, %add3A_265 : i32
        %ge3A = arith.constant 4 : i32
        %ge3A_267 = arith.cmpi sge, %add3A_266, %ge3A : i32
        %convert_element_type3A_268 = arith.extui %ge3A_267 : i1 to i32
        %cond3A_269 = arith.constant 0 : i32
        %cond3A_270 = arith.cmpi ne, %convert_element_type3A_268, %cond3A_269 : i32
        scf.if %cond3A_270 {
          %dma_wait3A_284 = arith.constant 3 : i32
          %dma_wait3A_285 = arith.constant 0 : i32
          %dma_wait3A_286 = arith.constant 0 : i32
          %dma_wait3A_287 = arith.constant 0 : i32
          %dma_wait3A_288 = tpu.memref_slice %arg12[%dma_wait3A_284, %dma_wait3A_286, %dma_wait3A_287] : memref<4x128x128xbf16, #tpu.memory_space<vmem>> -> memref<1x128x128xbf16, #tpu.memory_space<vmem>>
          %dma_wait3A_289 = tpu.memref_squeeze %dma_wait3A_288 : memref<1x128x128xbf16, #tpu.memory_space<vmem>> -> memref<128x128xbf16, #tpu.memory_space<vmem>>
          %dma_wait3A_290 = arith.constant 0 : i32
          %dma_wait3A_291 = tpu.memref_slice %arg11[%dma_wait3A_285, %dma_wait3A_290] : memref<80x128xi32, #tpu.memory_space<vmem>> -> memref<1x128xi32, #tpu.memory_space<vmem>>
          %dma_wait3A_292 = tpu.memref_squeeze %dma_wait3A_291 : memref<1x128xi32, #tpu.memory_space<vmem>> -> memref<128xi32, #tpu.memory_space<vmem>>
          %dma_wait3A_293 = arith.constant 0 : i32
          %dma_wait3A_294 = arith.constant 0 : i32
          %dma_wait3A_295 = tpu.memref_slice %arg14[%dma_wait3A_293, %dma_wait3A_294] : memref<10112x128xbf16, #tpu.memory_space<vmem_shared>> -> memref<10112x128xbf16, #tpu.memory_space<vmem_shared>>
          tpu.wait_indirect_dma semaphore(%arg23 : memref<!tpu.dma_semaphore, #tpu.memory_space<semaphore_mem>>) src(%dma_wait3A_289 : memref<128x128xbf16, #tpu.memory_space<vmem>>) dst(%dma_wait3A_295 : memref<10112x128xbf16, #tpu.memory_space<vmem_shared>>)
        } else {
        }
        %add3A_271 = arith.constant 3 : i32
        %add3A_272 = arith.addi %add3A_113, %add3A_271 : i32
        %dma_start3A_273 = arith.constant 3 : i32
        %dma_start3A_274 = arith.constant 0 : i32
        %dma_start3A_275 = arith.constant 0 : i32
        %dma_start3A_276 = tpu.memref_slice %arg12[%dma_start3A_273, %dma_start3A_274, %dma_start3A_275] : memref<4x128x128xbf16, #tpu.memory_space<vmem>> -> memref<1x128x128xbf16, #tpu.memory_space<vmem>>
        %dma_start3A_277 = tpu.memref_squeeze %dma_start3A_276 : memref<1x128x128xbf16, #tpu.memory_space<vmem>> -> memref<128x128xbf16, #tpu.memory_space<vmem>>
        %dma_start3A_278 = arith.constant 0 : i32
        %dma_start3A_279 = tpu.memref_slice %arg10[%add3A_272, %dma_start3A_278] : memref<80x128xi32, #tpu.memory_space<vmem>> -> memref<1x128xi32, #tpu.memory_space<vmem>>
        %dma_start3A_280 = tpu.memref_squeeze %dma_start3A_279 : memref<1x128xi32, #tpu.memory_space<vmem>> -> memref<128xi32, #tpu.memory_space<vmem>>
        %dma_start3A_281 = arith.constant 0 : i32
        %dma_start3A_282 = arith.constant 0 : i32
        %dma_start3A_283 = tpu.memref_slice %arg2[%dma_start3A_281, %dma_start3A_282] : memref<20000x128xbf16, #tpu.memory_space<hbm>> -> memref<20000x128xbf16, #tpu.memory_space<hbm>>
        tpu.enqueue_indirect_dma source(%dma_start3A_283 : memref<20000x128xbf16, #tpu.memory_space<hbm>>) target(%dma_start3A_277 : memref<128x128xbf16, #tpu.memory_space<vmem>>) offsets(%dma_start3A_280 : memref<128xi32, #tpu.memory_space<vmem>>) semaphore(%arg19 : memref<!tpu.dma_semaphore, #tpu.memory_space<semaphore_mem>>)
      } else {
      }
      %dma_wait3A_120 = arith.constant 0 : i32
      %dma_wait3A_121 = arith.constant 0 : i32
      %dma_wait3A_122 = arith.constant 0 : i32
      %dma_wait3A_123 = arith.constant 0 : i32
      %dma_wait3A_124 = tpu.memref_slice %arg12[%dma_wait3A_121, %dma_wait3A_122, %dma_wait3A_123] : memref<4x128x128xbf16, #tpu.memory_space<vmem>> -> memref<1x128x128xbf16, #tpu.memory_space<vmem>>
      %dma_wait3A_125 = tpu.memref_squeeze %dma_wait3A_124 : memref<1x128x128xbf16, #tpu.memory_space<vmem>> -> memref<128x128xbf16, #tpu.memory_space<vmem>>
      %dma_wait3A_126 = arith.constant 0 : i32
      %dma_wait3A_127 = tpu.memref_slice %arg10[%dma_wait3A_120, %dma_wait3A_126] : memref<80x128xi32, #tpu.memory_space<vmem>> -> memref<1x128xi32, #tpu.memory_space<vmem>>
      %dma_wait3A_128 = tpu.memref_squeeze %dma_wait3A_127 : memref<1x128xi32, #tpu.memory_space<vmem>> -> memref<128xi32, #tpu.memory_space<vmem>>
      %dma_wait3A_129 = arith.constant 0 : i32
      %dma_wait3A_130 = arith.constant 0 : i32
      %dma_wait3A_131 = tpu.memref_slice %arg2[%dma_wait3A_129, %dma_wait3A_130] : memref<20000x128xbf16, #tpu.memory_space<hbm>> -> memref<20000x128xbf16, #tpu.memory_space<hbm>>
      tpu.wait_indirect_dma semaphore(%arg16 : memref<!tpu.dma_semaphore, #tpu.memory_space<semaphore_mem>>) src(%dma_wait3A_131 : memref<20000x128xbf16, #tpu.memory_space<hbm>>) dst(%dma_wait3A_125 : memref<128x128xbf16, #tpu.memory_space<vmem>>)
      %dma_start3A_132 = arith.constant 0 : i32
      %dma_start3A_133 = arith.constant 0 : i32
      %dma_start3A_134 = arith.constant 0 : i32
      %dma_start3A_135 = tpu.memref_slice %arg12[%dma_start3A_132, %dma_start3A_133, %dma_start3A_134] : memref<4x128x128xbf16, #tpu.memory_space<vmem>> -> memref<1x128x128xbf16, #tpu.memory_space<vmem>>
      %dma_start3A_136 = tpu.memref_squeeze %dma_start3A_135 : memref<1x128x128xbf16, #tpu.memory_space<vmem>> -> memref<128x128xbf16, #tpu.memory_space<vmem>>
      %dma_start3A_137 = arith.constant 0 : i32
      %dma_start3A_138 = tpu.memref_slice %arg11[%add3A_113, %dma_start3A_137] : memref<80x128xi32, #tpu.memory_space<vmem>> -> memref<1x128xi32, #tpu.memory_space<vmem>>
      %dma_start3A_139 = tpu.memref_squeeze %dma_start3A_138 : memref<1x128xi32, #tpu.memory_space<vmem>> -> memref<128xi32, #tpu.memory_space<vmem>>
      %dma_start3A_140 = arith.constant 0 : i32
      %dma_start3A_141 = arith.constant 0 : i32
      %dma_start3A_142 = tpu.memref_slice %arg14[%dma_start3A_140, %dma_start3A_141] : memref<10112x128xbf16, #tpu.memory_space<vmem_shared>> -> memref<10112x128xbf16, #tpu.memory_space<vmem_shared>>
      tpu.enqueue_indirect_dma source(%dma_start3A_136 : memref<128x128xbf16, #tpu.memory_space<vmem>>) target(%dma_start3A_142 : memref<10112x128xbf16, #tpu.memory_space<vmem_shared>>) offsets(%dma_start3A_139 : memref<128xi32, #tpu.memory_space<vmem>>) semaphore(%arg20 : memref<!tpu.dma_semaphore, #tpu.memory_space<semaphore_mem>>) {add = true}
      %eq3A_143 = arith.constant 0 : i32
      %eq3A_144 = arith.cmpi eq, %arg0, %eq3A_143 : i32
      %convert_element_type3A_145 = arith.extui %eq3A_144 : i1 to i32
      %cond3A_146 = arith.constant 0 : i32
      %cond3A_147 = arith.cmpi ne, %convert_element_type3A_145, %cond3A_146 : i32
      scf.if %cond3A_147 {
        "tpu.region"() ({
          %run_scoped3A = tpu.sem_alloc : memref<!tpu.dma_semaphore, #tpu.memory_space<semaphore_mem>>
          %dma_start3A_265 = arith.constant 0 : i32
          %dma_start3A_266 = tpu.memref_slice %arg11[%add3A_113, %dma_start3A_265] : memref<80x128xi32, #tpu.memory_space<vmem>> -> memref<1x128xi32, #tpu.memory_space<vmem>>
          %dma_start3A_267 = tpu.memref_squeeze %dma_start3A_266 : memref<1x128xi32, #tpu.memory_space<vmem>> -> memref<128xi32, #tpu.memory_space<vmem>>
          %dma_start3A_268 = arith.constant 0 : i32
          %dma_start3A_269 = arith.constant 0 : i32
          %dma_start3A_270 = tpu.memref_slice %arg15[%dma_start3A_268, %dma_start3A_269] : memref<10112x16xf32, #tpu.memory_space<vmem_shared>> -> memref<10112x16xf32, #tpu.memory_space<vmem_shared>>
          tpu.enqueue_indirect_dma source(%arg13 : memref<128x16xf32, #tpu.memory_space<vmem>>) target(%dma_start3A_270 : memref<10112x16xf32, #tpu.memory_space<vmem_shared>>) offsets(%dma_start3A_267 : memref<128xi32, #tpu.memory_space<vmem>>) semaphore(%run_scoped3A : memref<!tpu.dma_semaphore, #tpu.memory_space<semaphore_mem>>) {add = true}
          %dma_wait3A_271 = arith.constant 0 : i32
          %dma_wait3A_272 = tpu.memref_slice %arg11[%add3A_113, %dma_wait3A_271] : memref<80x128xi32, #tpu.memory_space<vmem>> -> memref<1x128xi32, #tpu.memory_space<vmem>>
          %dma_wait3A_273 = tpu.memref_squeeze %dma_wait3A_272 : memref<1x128xi32, #tpu.memory_space<vmem>> -> memref<128xi32, #tpu.memory_space<vmem>>
          %dma_wait3A_274 = arith.constant 0 : i32
          %dma_wait3A_275 = arith.constant 0 : i32
          %dma_wait3A_276 = tpu.memref_slice %arg15[%dma_wait3A_274, %dma_wait3A_275] : memref<10112x16xf32, #tpu.memory_space<vmem_shared>> -> memref<10112x16xf32, #tpu.memory_space<vmem_shared>>
          tpu.wait_indirect_dma semaphore(%run_scoped3A : memref<!tpu.dma_semaphore, #tpu.memory_space<semaphore_mem>>) src(%arg13 : memref<128x16xf32, #tpu.memory_space<vmem>>) dst(%dma_wait3A_276 : memref<10112x16xf32, #tpu.memory_space<vmem_shared>>)
          tpu.yield
        }) : () -> ()
      } else {
      }
      %mul3A_148 = arith.constant 4 : i32
      %mul3A_149 = arith.muli %scan3A_109, %mul3A_148 : i32
      %add3A_150 = arith.constant 1 : i32
      %add3A_151 = arith.addi %mul3A_149, %add3A_150 : i32
      %add3A_152 = arith.constant 3 : i32
      %add3A_153 = arith.addi %add3A_151, %add3A_152 : i32
      %lt3A_154 = arith.constant 80 : i32
      %lt3A_155 = arith.cmpi slt, %add3A_153, %lt3A_154 : i32
      %convert_element_type3A_156 = arith.extui %lt3A_155 : i1 to i32
      %cond3A_157 = arith.constant 0 : i32
      %cond3A_158 = arith.cmpi ne, %convert_element_type3A_156, %cond3A_157 : i32
      scf.if %cond3A_158 {
        %add3A_265 = arith.constant 3 : i32
        %add3A_266 = arith.addi %add3A_151, %add3A_265 : i32
        %ge3A = arith.constant 4 : i32
        %ge3A_267 = arith.cmpi sge, %add3A_266, %ge3A : i32
        %convert_element_type3A_268 = arith.extui %ge3A_267 : i1 to i32
        %cond3A_269 = arith.constant 0 : i32
        %cond3A_270 = arith.cmpi ne, %convert_element_type3A_268, %cond3A_269 : i32
        scf.if %cond3A_270 {
          %dma_wait3A_284 = arith.constant 0 : i32
          %dma_wait3A_285 = arith.constant 0 : i32
          %dma_wait3A_286 = arith.constant 0 : i32
          %dma_wait3A_287 = arith.constant 0 : i32
          %dma_wait3A_288 = tpu.memref_slice %arg12[%dma_wait3A_284, %dma_wait3A_286, %dma_wait3A_287] : memref<4x128x128xbf16, #tpu.memory_space<vmem>> -> memref<1x128x128xbf16, #tpu.memory_space<vmem>>
          %dma_wait3A_289 = tpu.memref_squeeze %dma_wait3A_288 : memref<1x128x128xbf16, #tpu.memory_space<vmem>> -> memref<128x128xbf16, #tpu.memory_space<vmem>>
          %dma_wait3A_290 = arith.constant 0 : i32
          %dma_wait3A_291 = tpu.memref_slice %arg11[%dma_wait3A_285, %dma_wait3A_290] : memref<80x128xi32, #tpu.memory_space<vmem>> -> memref<1x128xi32, #tpu.memory_space<vmem>>
          %dma_wait3A_292 = tpu.memref_squeeze %dma_wait3A_291 : memref<1x128xi32, #tpu.memory_space<vmem>> -> memref<128xi32, #tpu.memory_space<vmem>>
          %dma_wait3A_293 = arith.constant 0 : i32
          %dma_wait3A_294 = arith.constant 0 : i32
          %dma_wait3A_295 = tpu.memref_slice %arg14[%dma_wait3A_293, %dma_wait3A_294] : memref<10112x128xbf16, #tpu.memory_space<vmem_shared>> -> memref<10112x128xbf16, #tpu.memory_space<vmem_shared>>
          tpu.wait_indirect_dma semaphore(%arg20 : memref<!tpu.dma_semaphore, #tpu.memory_space<semaphore_mem>>) src(%dma_wait3A_289 : memref<128x128xbf16, #tpu.memory_space<vmem>>) dst(%dma_wait3A_295 : memref<10112x128xbf16, #tpu.memory_space<vmem_shared>>)
        } else {
        }
        %add3A_271 = arith.constant 3 : i32
        %add3A_272 = arith.addi %add3A_151, %add3A_271 : i32
        %dma_start3A_273 = arith.constant 0 : i32
        %dma_start3A_274 = arith.constant 0 : i32
        %dma_start3A_275 = arith.constant 0 : i32
        %dma_start3A_276 = tpu.memref_slice %arg12[%dma_start3A_273, %dma_start3A_274, %dma_start3A_275] : memref<4x128x128xbf16, #tpu.memory_space<vmem>> -> memref<1x128x128xbf16, #tpu.memory_space<vmem>>
        %dma_start3A_277 = tpu.memref_squeeze %dma_start3A_276 : memref<1x128x128xbf16, #tpu.memory_space<vmem>> -> memref<128x128xbf16, #tpu.memory_space<vmem>>
        %dma_start3A_278 = arith.constant 0 : i32
        %dma_start3A_279 = tpu.memref_slice %arg10[%add3A_272, %dma_start3A_278] : memref<80x128xi32, #tpu.memory_space<vmem>> -> memref<1x128xi32, #tpu.memory_space<vmem>>
        %dma_start3A_280 = tpu.memref_squeeze %dma_start3A_279 : memref<1x128xi32, #tpu.memory_space<vmem>> -> memref<128xi32, #tpu.memory_space<vmem>>
        %dma_start3A_281 = arith.constant 0 : i32
        %dma_start3A_282 = arith.constant 0 : i32
        %dma_start3A_283 = tpu.memref_slice %arg2[%dma_start3A_281, %dma_start3A_282] : memref<20000x128xbf16, #tpu.memory_space<hbm>> -> memref<20000x128xbf16, #tpu.memory_space<hbm>>
        tpu.enqueue_indirect_dma source(%dma_start3A_283 : memref<20000x128xbf16, #tpu.memory_space<hbm>>) target(%dma_start3A_277 : memref<128x128xbf16, #tpu.memory_space<vmem>>) offsets(%dma_start3A_280 : memref<128xi32, #tpu.memory_space<vmem>>) semaphore(%arg16 : memref<!tpu.dma_semaphore, #tpu.memory_space<semaphore_mem>>)
      } else {
      }
      %dma_wait3A_159 = arith.constant 0 : i32
      %dma_wait3A_160 = arith.constant 1 : i32
      %dma_wait3A_161 = arith.constant 0 : i32
      %dma_wait3A_162 = arith.constant 0 : i32
      %dma_wait3A_163 = tpu.memref_slice %arg12[%dma_wait3A_160, %dma_wait3A_161, %dma_wait3A_162] : memref<4x128x128xbf16, #tpu.memory_space<vmem>> -> memref<1x128x128xbf16, #tpu.memory_space<vmem>>
      %dma_wait3A_164 = tpu.memref_squeeze %dma_wait3A_163 : memref<1x128x128xbf16, #tpu.memory_space<vmem>> -> memref<128x128xbf16, #tpu.memory_space<vmem>>
      %dma_wait3A_165 = arith.constant 0 : i32
      %dma_wait3A_166 = tpu.memref_slice %arg10[%dma_wait3A_159, %dma_wait3A_165] : memref<80x128xi32, #tpu.memory_space<vmem>> -> memref<1x128xi32, #tpu.memory_space<vmem>>
      %dma_wait3A_167 = tpu.memref_squeeze %dma_wait3A_166 : memref<1x128xi32, #tpu.memory_space<vmem>> -> memref<128xi32, #tpu.memory_space<vmem>>
      %dma_wait3A_168 = arith.constant 0 : i32
      %dma_wait3A_169 = arith.constant 0 : i32
      %dma_wait3A_170 = tpu.memref_slice %arg2[%dma_wait3A_168, %dma_wait3A_169] : memref<20000x128xbf16, #tpu.memory_space<hbm>> -> memref<20000x128xbf16, #tpu.memory_space<hbm>>
      tpu.wait_indirect_dma semaphore(%arg17 : memref<!tpu.dma_semaphore, #tpu.memory_space<semaphore_mem>>) src(%dma_wait3A_170 : memref<20000x128xbf16, #tpu.memory_space<hbm>>) dst(%dma_wait3A_164 : memref<128x128xbf16, #tpu.memory_space<vmem>>)
      %dma_start3A_171 = arith.constant 1 : i32
      %dma_start3A_172 = arith.constant 0 : i32
      %dma_start3A_173 = arith.constant 0 : i32
      %dma_start3A_174 = tpu.memref_slice %arg12[%dma_start3A_171, %dma_start3A_172, %dma_start3A_173] : memref<4x128x128xbf16, #tpu.memory_space<vmem>> -> memref<1x128x128xbf16, #tpu.memory_space<vmem>>
      %dma_start3A_175 = tpu.memref_squeeze %dma_start3A_174 : memref<1x128x128xbf16, #tpu.memory_space<vmem>> -> memref<128x128xbf16, #tpu.memory_space<vmem>>
      %dma_start3A_176 = arith.constant 0 : i32
      %dma_start3A_177 = tpu.memref_slice %arg11[%add3A_151, %dma_start3A_176] : memref<80x128xi32, #tpu.memory_space<vmem>> -> memref<1x128xi32, #tpu.memory_space<vmem>>
      %dma_start3A_178 = tpu.memref_squeeze %dma_start3A_177 : memref<1x128xi32, #tpu.memory_space<vmem>> -> memref<128xi32, #tpu.memory_space<vmem>>
      %dma_start3A_179 = arith.constant 0 : i32
      %dma_start3A_180 = arith.constant 0 : i32
      %dma_start3A_181 = tpu.memref_slice %arg14[%dma_start3A_179, %dma_start3A_180] : memref<10112x128xbf16, #tpu.memory_space<vmem_shared>> -> memref<10112x128xbf16, #tpu.memory_space<vmem_shared>>
      tpu.enqueue_indirect_dma source(%dma_start3A_175 : memref<128x128xbf16, #tpu.memory_space<vmem>>) target(%dma_start3A_181 : memref<10112x128xbf16, #tpu.memory_space<vmem_shared>>) offsets(%dma_start3A_178 : memref<128xi32, #tpu.memory_space<vmem>>) semaphore(%arg21 : memref<!tpu.dma_semaphore, #tpu.memory_space<semaphore_mem>>) {add = true}
      %eq3A_182 = arith.constant 0 : i32
      %eq3A_183 = arith.cmpi eq, %arg0, %eq3A_182 : i32
      %convert_element_type3A_184 = arith.extui %eq3A_183 : i1 to i32
      %cond3A_185 = arith.constant 0 : i32
      %cond3A_186 = arith.cmpi ne, %convert_element_type3A_184, %cond3A_185 : i32
      scf.if %cond3A_186 {
        "tpu.region"() ({
          %run_scoped3A = tpu.sem_alloc : memref<!tpu.dma_semaphore, #tpu.memory_space<semaphore_mem>>
          %dma_start3A_265 = arith.constant 0 : i32
          %dma_start3A_266 = tpu.memref_slice %arg11[%add3A_151, %dma_start3A_265] : memref<80x128xi32, #tpu.memory_space<vmem>> -> memref<1x128xi32, #tpu.memory_space<vmem>>
          %dma_start3A_267 = tpu.memref_squeeze %dma_start3A_266 : memref<1x128xi32, #tpu.memory_space<vmem>> -> memref<128xi32, #tpu.memory_space<vmem>>
          %dma_start3A_268 = arith.constant 0 : i32
          %dma_start3A_269 = arith.constant 0 : i32
          %dma_start3A_270 = tpu.memref_slice %arg15[%dma_start3A_268, %dma_start3A_269] : memref<10112x16xf32, #tpu.memory_space<vmem_shared>> -> memref<10112x16xf32, #tpu.memory_space<vmem_shared>>
          tpu.enqueue_indirect_dma source(%arg13 : memref<128x16xf32, #tpu.memory_space<vmem>>) target(%dma_start3A_270 : memref<10112x16xf32, #tpu.memory_space<vmem_shared>>) offsets(%dma_start3A_267 : memref<128xi32, #tpu.memory_space<vmem>>) semaphore(%run_scoped3A : memref<!tpu.dma_semaphore, #tpu.memory_space<semaphore_mem>>) {add = true}
          %dma_wait3A_271 = arith.constant 0 : i32
          %dma_wait3A_272 = tpu.memref_slice %arg11[%add3A_151, %dma_wait3A_271] : memref<80x128xi32, #tpu.memory_space<vmem>> -> memref<1x128xi32, #tpu.memory_space<vmem>>
          %dma_wait3A_273 = tpu.memref_squeeze %dma_wait3A_272 : memref<1x128xi32, #tpu.memory_space<vmem>> -> memref<128xi32, #tpu.memory_space<vmem>>
          %dma_wait3A_274 = arith.constant 0 : i32
          %dma_wait3A_275 = arith.constant 0 : i32
          %dma_wait3A_276 = tpu.memref_slice %arg15[%dma_wait3A_274, %dma_wait3A_275] : memref<10112x16xf32, #tpu.memory_space<vmem_shared>> -> memref<10112x16xf32, #tpu.memory_space<vmem_shared>>
          tpu.wait_indirect_dma semaphore(%run_scoped3A : memref<!tpu.dma_semaphore, #tpu.memory_space<semaphore_mem>>) src(%arg13 : memref<128x16xf32, #tpu.memory_space<vmem>>) dst(%dma_wait3A_276 : memref<10112x16xf32, #tpu.memory_space<vmem_shared>>)
          tpu.yield
        }) : () -> ()
      } else {
      }
      %mul3A_187 = arith.constant 4 : i32
      %mul3A_188 = arith.muli %scan3A_109, %mul3A_187 : i32
      %add3A_189 = arith.constant 2 : i32
      %add3A_190 = arith.addi %mul3A_188, %add3A_189 : i32
      %add3A_191 = arith.constant 3 : i32
      %add3A_192 = arith.addi %add3A_190, %add3A_191 : i32
      %lt3A_193 = arith.constant 80 : i32
      %lt3A_194 = arith.cmpi slt, %add3A_192, %lt3A_193 : i32
      %convert_element_type3A_195 = arith.extui %lt3A_194 : i1 to i32
      %cond3A_196 = arith.constant 0 : i32
      %cond3A_197 = arith.cmpi ne, %convert_element_type3A_195, %cond3A_196 : i32
      scf.if %cond3A_197 {
        %add3A_265 = arith.constant 3 : i32
        %add3A_266 = arith.addi %add3A_190, %add3A_265 : i32
        %ge3A = arith.constant 4 : i32
        %ge3A_267 = arith.cmpi sge, %add3A_266, %ge3A : i32
        %convert_element_type3A_268 = arith.extui %ge3A_267 : i1 to i32
        %cond3A_269 = arith.constant 0 : i32
        %cond3A_270 = arith.cmpi ne, %convert_element_type3A_268, %cond3A_269 : i32
        scf.if %cond3A_270 {
          %dma_wait3A_284 = arith.constant 1 : i32
          %dma_wait3A_285 = arith.constant 0 : i32
          %dma_wait3A_286 = arith.constant 0 : i32
          %dma_wait3A_287 = arith.constant 0 : i32
          %dma_wait3A_288 = tpu.memref_slice %arg12[%dma_wait3A_284, %dma_wait3A_286, %dma_wait3A_287] : memref<4x128x128xbf16, #tpu.memory_space<vmem>> -> memref<1x128x128xbf16, #tpu.memory_space<vmem>>
          %dma_wait3A_289 = tpu.memref_squeeze %dma_wait3A_288 : memref<1x128x128xbf16, #tpu.memory_space<vmem>> -> memref<128x128xbf16, #tpu.memory_space<vmem>>
          %dma_wait3A_290 = arith.constant 0 : i32
          %dma_wait3A_291 = tpu.memref_slice %arg11[%dma_wait3A_285, %dma_wait3A_290] : memref<80x128xi32, #tpu.memory_space<vmem>> -> memref<1x128xi32, #tpu.memory_space<vmem>>
          %dma_wait3A_292 = tpu.memref_squeeze %dma_wait3A_291 : memref<1x128xi32, #tpu.memory_space<vmem>> -> memref<128xi32, #tpu.memory_space<vmem>>
          %dma_wait3A_293 = arith.constant 0 : i32
          %dma_wait3A_294 = arith.constant 0 : i32
          %dma_wait3A_295 = tpu.memref_slice %arg14[%dma_wait3A_293, %dma_wait3A_294] : memref<10112x128xbf16, #tpu.memory_space<vmem_shared>> -> memref<10112x128xbf16, #tpu.memory_space<vmem_shared>>
          tpu.wait_indirect_dma semaphore(%arg21 : memref<!tpu.dma_semaphore, #tpu.memory_space<semaphore_mem>>) src(%dma_wait3A_289 : memref<128x128xbf16, #tpu.memory_space<vmem>>) dst(%dma_wait3A_295 : memref<10112x128xbf16, #tpu.memory_space<vmem_shared>>)
        } else {
        }
        %add3A_271 = arith.constant 3 : i32
        %add3A_272 = arith.addi %add3A_190, %add3A_271 : i32
        %dma_start3A_273 = arith.constant 1 : i32
        %dma_start3A_274 = arith.constant 0 : i32
        %dma_start3A_275 = arith.constant 0 : i32
        %dma_start3A_276 = tpu.memref_slice %arg12[%dma_start3A_273, %dma_start3A_274, %dma_start3A_275] : memref<4x128x128xbf16, #tpu.memory_space<vmem>> -> memref<1x128x128xbf16, #tpu.memory_space<vmem>>
        %dma_start3A_277 = tpu.memref_squeeze %dma_start3A_276 : memref<1x128x128xbf16, #tpu.memory_space<vmem>> -> memref<128x128xbf16, #tpu.memory_space<vmem>>
        %dma_start3A_278 = arith.constant 0 : i32
        %dma_start3A_279 = tpu.memref_slice %arg10[%add3A_272, %dma_start3A_278] : memref<80x128xi32, #tpu.memory_space<vmem>> -> memref<1x128xi32, #tpu.memory_space<vmem>>
        %dma_start3A_280 = tpu.memref_squeeze %dma_start3A_279 : memref<1x128xi32, #tpu.memory_space<vmem>> -> memref<128xi32, #tpu.memory_space<vmem>>
        %dma_start3A_281 = arith.constant 0 : i32
        %dma_start3A_282 = arith.constant 0 : i32
        %dma_start3A_283 = tpu.memref_slice %arg2[%dma_start3A_281, %dma_start3A_282] : memref<20000x128xbf16, #tpu.memory_space<hbm>> -> memref<20000x128xbf16, #tpu.memory_space<hbm>>
        tpu.enqueue_indirect_dma source(%dma_start3A_283 : memref<20000x128xbf16, #tpu.memory_space<hbm>>) target(%dma_start3A_277 : memref<128x128xbf16, #tpu.memory_space<vmem>>) offsets(%dma_start3A_280 : memref<128xi32, #tpu.memory_space<vmem>>) semaphore(%arg17 : memref<!tpu.dma_semaphore, #tpu.memory_space<semaphore_mem>>)
      } else {
      }
      %dma_wait3A_198 = arith.constant 0 : i32
      %dma_wait3A_199 = arith.constant 2 : i32
      %dma_wait3A_200 = arith.constant 0 : i32
      %dma_wait3A_201 = arith.constant 0 : i32
      %dma_wait3A_202 = tpu.memref_slice %arg12[%dma_wait3A_199, %dma_wait3A_200, %dma_wait3A_201] : memref<4x128x128xbf16, #tpu.memory_space<vmem>> -> memref<1x128x128xbf16, #tpu.memory_space<vmem>>
      %dma_wait3A_203 = tpu.memref_squeeze %dma_wait3A_202 : memref<1x128x128xbf16, #tpu.memory_space<vmem>> -> memref<128x128xbf16, #tpu.memory_space<vmem>>
      %dma_wait3A_204 = arith.constant 0 : i32
      %dma_wait3A_205 = tpu.memref_slice %arg10[%dma_wait3A_198, %dma_wait3A_204] : memref<80x128xi32, #tpu.memory_space<vmem>> -> memref<1x128xi32, #tpu.memory_space<vmem>>
      %dma_wait3A_206 = tpu.memref_squeeze %dma_wait3A_205 : memref<1x128xi32, #tpu.memory_space<vmem>> -> memref<128xi32, #tpu.memory_space<vmem>>
      %dma_wait3A_207 = arith.constant 0 : i32
      %dma_wait3A_208 = arith.constant 0 : i32
      %dma_wait3A_209 = tpu.memref_slice %arg2[%dma_wait3A_207, %dma_wait3A_208] : memref<20000x128xbf16, #tpu.memory_space<hbm>> -> memref<20000x128xbf16, #tpu.memory_space<hbm>>
      tpu.wait_indirect_dma semaphore(%arg18 : memref<!tpu.dma_semaphore, #tpu.memory_space<semaphore_mem>>) src(%dma_wait3A_209 : memref<20000x128xbf16, #tpu.memory_space<hbm>>) dst(%dma_wait3A_203 : memref<128x128xbf16, #tpu.memory_space<vmem>>)
      %dma_start3A_210 = arith.constant 2 : i32
      %dma_start3A_211 = arith.constant 0 : i32
      %dma_start3A_212 = arith.constant 0 : i32
      %dma_start3A_213 = tpu.memref_slice %arg12[%dma_start3A_210, %dma_start3A_211, %dma_start3A_212] : memref<4x128x128xbf16, #tpu.memory_space<vmem>> -> memref<1x128x128xbf16, #tpu.memory_space<vmem>>
      %dma_start3A_214 = tpu.memref_squeeze %dma_start3A_213 : memref<1x128x128xbf16, #tpu.memory_space<vmem>> -> memref<128x128xbf16, #tpu.memory_space<vmem>>
      %dma_start3A_215 = arith.constant 0 : i32
      %dma_start3A_216 = tpu.memref_slice %arg11[%add3A_190, %dma_start3A_215] : memref<80x128xi32, #tpu.memory_space<vmem>> -> memref<1x128xi32, #tpu.memory_space<vmem>>
      %dma_start3A_217 = tpu.memref_squeeze %dma_start3A_216 : memref<1x128xi32, #tpu.memory_space<vmem>> -> memref<128xi32, #tpu.memory_space<vmem>>
      %dma_start3A_218 = arith.constant 0 : i32
      %dma_start3A_219 = arith.constant 0 : i32
      %dma_start3A_220 = tpu.memref_slice %arg14[%dma_start3A_218, %dma_start3A_219] : memref<10112x128xbf16, #tpu.memory_space<vmem_shared>> -> memref<10112x128xbf16, #tpu.memory_space<vmem_shared>>
      tpu.enqueue_indirect_dma source(%dma_start3A_214 : memref<128x128xbf16, #tpu.memory_space<vmem>>) target(%dma_start3A_220 : memref<10112x128xbf16, #tpu.memory_space<vmem_shared>>) offsets(%dma_start3A_217 : memref<128xi32, #tpu.memory_space<vmem>>) semaphore(%arg22 : memref<!tpu.dma_semaphore, #tpu.memory_space<semaphore_mem>>) {add = true}
      %eq3A_221 = arith.constant 0 : i32
      %eq3A_222 = arith.cmpi eq, %arg0, %eq3A_221 : i32
      %convert_element_type3A_223 = arith.extui %eq3A_222 : i1 to i32
      %cond3A_224 = arith.constant 0 : i32
      %cond3A_225 = arith.cmpi ne, %convert_element_type3A_223, %cond3A_224 : i32
      scf.if %cond3A_225 {
        "tpu.region"() ({
          %run_scoped3A = tpu.sem_alloc : memref<!tpu.dma_semaphore, #tpu.memory_space<semaphore_mem>>
          %dma_start3A_265 = arith.constant 0 : i32
          %dma_start3A_266 = tpu.memref_slice %arg11[%add3A_190, %dma_start3A_265] : memref<80x128xi32, #tpu.memory_space<vmem>> -> memref<1x128xi32, #tpu.memory_space<vmem>>
          %dma_start3A_267 = tpu.memref_squeeze %dma_start3A_266 : memref<1x128xi32, #tpu.memory_space<vmem>> -> memref<128xi32, #tpu.memory_space<vmem>>
          %dma_start3A_268 = arith.constant 0 : i32
          %dma_start3A_269 = arith.constant 0 : i32
          %dma_start3A_270 = tpu.memref_slice %arg15[%dma_start3A_268, %dma_start3A_269] : memref<10112x16xf32, #tpu.memory_space<vmem_shared>> -> memref<10112x16xf32, #tpu.memory_space<vmem_shared>>
          tpu.enqueue_indirect_dma source(%arg13 : memref<128x16xf32, #tpu.memory_space<vmem>>) target(%dma_start3A_270 : memref<10112x16xf32, #tpu.memory_space<vmem_shared>>) offsets(%dma_start3A_267 : memref<128xi32, #tpu.memory_space<vmem>>) semaphore(%run_scoped3A : memref<!tpu.dma_semaphore, #tpu.memory_space<semaphore_mem>>) {add = true}
          %dma_wait3A_271 = arith.constant 0 : i32
          %dma_wait3A_272 = tpu.memref_slice %arg11[%add3A_190, %dma_wait3A_271] : memref<80x128xi32, #tpu.memory_space<vmem>> -> memref<1x128xi32, #tpu.memory_space<vmem>>
          %dma_wait3A_273 = tpu.memref_squeeze %dma_wait3A_272 : memref<1x128xi32, #tpu.memory_space<vmem>> -> memref<128xi32, #tpu.memory_space<vmem>>
          %dma_wait3A_274 = arith.constant 0 : i32
          %dma_wait3A_275 = arith.constant 0 : i32
          %dma_wait3A_276 = tpu.memref_slice %arg15[%dma_wait3A_274, %dma_wait3A_275] : memref<10112x16xf32, #tpu.memory_space<vmem_shared>> -> memref<10112x16xf32, #tpu.memory_space<vmem_shared>>
          tpu.wait_indirect_dma semaphore(%run_scoped3A : memref<!tpu.dma_semaphore, #tpu.memory_space<semaphore_mem>>) src(%arg13 : memref<128x16xf32, #tpu.memory_space<vmem>>) dst(%dma_wait3A_276 : memref<10112x16xf32, #tpu.memory_space<vmem_shared>>)
          tpu.yield
        }) : () -> ()
      } else {
      }
      %mul3A_226 = arith.constant 4 : i32
      %mul3A_227 = arith.muli %scan3A_109, %mul3A_226 : i32
      %add3A_228 = arith.constant 3 : i32
      %add3A_229 = arith.addi %mul3A_227, %add3A_228 : i32
      %add3A_230 = arith.constant 3 : i32
      %add3A_231 = arith.addi %add3A_229, %add3A_230 : i32
      %lt3A_232 = arith.constant 80 : i32
      %lt3A_233 = arith.cmpi slt, %add3A_231, %lt3A_232 : i32
      %convert_element_type3A_234 = arith.extui %lt3A_233 : i1 to i32
      %cond3A_235 = arith.constant 0 : i32
      %cond3A_236 = arith.cmpi ne, %convert_element_type3A_234, %cond3A_235 : i32
      scf.if %cond3A_236 {
        %add3A_265 = arith.constant 3 : i32
        %add3A_266 = arith.addi %add3A_229, %add3A_265 : i32
        %ge3A = arith.constant 4 : i32
        %ge3A_267 = arith.cmpi sge, %add3A_266, %ge3A : i32
        %convert_element_type3A_268 = arith.extui %ge3A_267 : i1 to i32
        %cond3A_269 = arith.constant 0 : i32
        %cond3A_270 = arith.cmpi ne, %convert_element_type3A_268, %cond3A_269 : i32
        scf.if %cond3A_270 {
          %dma_wait3A_284 = arith.constant 2 : i32
          %dma_wait3A_285 = arith.constant 0 : i32
          %dma_wait3A_286 = arith.constant 0 : i32
          %dma_wait3A_287 = arith.constant 0 : i32
          %dma_wait3A_288 = tpu.memref_slice %arg12[%dma_wait3A_284, %dma_wait3A_286, %dma_wait3A_287] : memref<4x128x128xbf16, #tpu.memory_space<vmem>> -> memref<1x128x128xbf16, #tpu.memory_space<vmem>>
          %dma_wait3A_289 = tpu.memref_squeeze %dma_wait3A_288 : memref<1x128x128xbf16, #tpu.memory_space<vmem>> -> memref<128x128xbf16, #tpu.memory_space<vmem>>
          %dma_wait3A_290 = arith.constant 0 : i32
          %dma_wait3A_291 = tpu.memref_slice %arg11[%dma_wait3A_285, %dma_wait3A_290] : memref<80x128xi32, #tpu.memory_space<vmem>> -> memref<1x128xi32, #tpu.memory_space<vmem>>
          %dma_wait3A_292 = tpu.memref_squeeze %dma_wait3A_291 : memref<1x128xi32, #tpu.memory_space<vmem>> -> memref<128xi32, #tpu.memory_space<vmem>>
          %dma_wait3A_293 = arith.constant 0 : i32
          %dma_wait3A_294 = arith.constant 0 : i32
          %dma_wait3A_295 = tpu.memref_slice %arg14[%dma_wait3A_293, %dma_wait3A_294] : memref<10112x128xbf16, #tpu.memory_space<vmem_shared>> -> memref<10112x128xbf16, #tpu.memory_space<vmem_shared>>
          tpu.wait_indirect_dma semaphore(%arg22 : memref<!tpu.dma_semaphore, #tpu.memory_space<semaphore_mem>>) src(%dma_wait3A_289 : memref<128x128xbf16, #tpu.memory_space<vmem>>) dst(%dma_wait3A_295 : memref<10112x128xbf16, #tpu.memory_space<vmem_shared>>)
        } else {
        }
        %add3A_271 = arith.constant 3 : i32
        %add3A_272 = arith.addi %add3A_229, %add3A_271 : i32
        %dma_start3A_273 = arith.constant 2 : i32
        %dma_start3A_274 = arith.constant 0 : i32
        %dma_start3A_275 = arith.constant 0 : i32
        %dma_start3A_276 = tpu.memref_slice %arg12[%dma_start3A_273, %dma_start3A_274, %dma_start3A_275] : memref<4x128x128xbf16, #tpu.memory_space<vmem>> -> memref<1x128x128xbf16, #tpu.memory_space<vmem>>
        %dma_start3A_277 = tpu.memref_squeeze %dma_start3A_276 : memref<1x128x128xbf16, #tpu.memory_space<vmem>> -> memref<128x128xbf16, #tpu.memory_space<vmem>>
        %dma_start3A_278 = arith.constant 0 : i32
        %dma_start3A_279 = tpu.memref_slice %arg10[%add3A_272, %dma_start3A_278] : memref<80x128xi32, #tpu.memory_space<vmem>> -> memref<1x128xi32, #tpu.memory_space<vmem>>
        %dma_start3A_280 = tpu.memref_squeeze %dma_start3A_279 : memref<1x128xi32, #tpu.memory_space<vmem>> -> memref<128xi32, #tpu.memory_space<vmem>>
        %dma_start3A_281 = arith.constant 0 : i32
        %dma_start3A_282 = arith.constant 0 : i32
        %dma_start3A_283 = tpu.memref_slice %arg2[%dma_start3A_281, %dma_start3A_282] : memref<20000x128xbf16, #tpu.memory_space<hbm>> -> memref<20000x128xbf16, #tpu.memory_space<hbm>>
        tpu.enqueue_indirect_dma source(%dma_start3A_283 : memref<20000x128xbf16, #tpu.memory_space<hbm>>) target(%dma_start3A_277 : memref<128x128xbf16, #tpu.memory_space<vmem>>) offsets(%dma_start3A_280 : memref<128xi32, #tpu.memory_space<vmem>>) semaphore(%arg18 : memref<!tpu.dma_semaphore, #tpu.memory_space<semaphore_mem>>)
      } else {
      }
      %dma_wait3A_237 = arith.constant 0 : i32
      %dma_wait3A_238 = arith.constant 3 : i32
      %dma_wait3A_239 = arith.constant 0 : i32
      %dma_wait3A_240 = arith.constant 0 : i32
      %dma_wait3A_241 = tpu.memref_slice %arg12[%dma_wait3A_238, %dma_wait3A_239, %dma_wait3A_240] : memref<4x128x128xbf16, #tpu.memory_space<vmem>> -> memref<1x128x128xbf16, #tpu.memory_space<vmem>>
      %dma_wait3A_242 = tpu.memref_squeeze %dma_wait3A_241 : memref<1x128x128xbf16, #tpu.memory_space<vmem>> -> memref<128x128xbf16, #tpu.memory_space<vmem>>
      %dma_wait3A_243 = arith.constant 0 : i32
      %dma_wait3A_244 = tpu.memref_slice %arg10[%dma_wait3A_237, %dma_wait3A_243] : memref<80x128xi32, #tpu.memory_space<vmem>> -> memref<1x128xi32, #tpu.memory_space<vmem>>
      %dma_wait3A_245 = tpu.memref_squeeze %dma_wait3A_244 : memref<1x128xi32, #tpu.memory_space<vmem>> -> memref<128xi32, #tpu.memory_space<vmem>>
      %dma_wait3A_246 = arith.constant 0 : i32
      %dma_wait3A_247 = arith.constant 0 : i32
      %dma_wait3A_248 = tpu.memref_slice %arg2[%dma_wait3A_246, %dma_wait3A_247] : memref<20000x128xbf16, #tpu.memory_space<hbm>> -> memref<20000x128xbf16, #tpu.memory_space<hbm>>
      tpu.wait_indirect_dma semaphore(%arg19 : memref<!tpu.dma_semaphore, #tpu.memory_space<semaphore_mem>>) src(%dma_wait3A_248 : memref<20000x128xbf16, #tpu.memory_space<hbm>>) dst(%dma_wait3A_242 : memref<128x128xbf16, #tpu.memory_space<vmem>>)
      %dma_start3A_249 = arith.constant 3 : i32
      %dma_start3A_250 = arith.constant 0 : i32
      %dma_start3A_251 = arith.constant 0 : i32
      %dma_start3A_252 = tpu.memref_slice %arg12[%dma_start3A_249, %dma_start3A_250, %dma_start3A_251] : memref<4x128x128xbf16, #tpu.memory_space<vmem>> -> memref<1x128x128xbf16, #tpu.memory_space<vmem>>
      %dma_start3A_253 = tpu.memref_squeeze %dma_start3A_252 : memref<1x128x128xbf16, #tpu.memory_space<vmem>> -> memref<128x128xbf16, #tpu.memory_space<vmem>>
      %dma_start3A_254 = arith.constant 0 : i32
      %dma_start3A_255 = tpu.memref_slice %arg11[%add3A_229, %dma_start3A_254] : memref<80x128xi32, #tpu.memory_space<vmem>> -> memref<1x128xi32, #tpu.memory_space<vmem>>
      %dma_start3A_256 = tpu.memref_squeeze %dma_start3A_255 : memref<1x128xi32, #tpu.memory_space<vmem>> -> memref<128xi32, #tpu.memory_space<vmem>>
      %dma_start3A_257 = arith.constant 0 : i32
      %dma_start3A_258 = arith.constant 0 : i32
      %dma_start3A_259 = tpu.memref_slice %arg14[%dma_start3A_257, %dma_start3A_258] : memref<10112x128xbf16, #tpu.memory_space<vmem_shared>> -> memref<10112x128xbf16, #tpu.memory_space<vmem_shared>>
      tpu.enqueue_indirect_dma source(%dma_start3A_253 : memref<128x128xbf16, #tpu.memory_space<vmem>>) target(%dma_start3A_259 : memref<10112x128xbf16, #tpu.memory_space<vmem_shared>>) offsets(%dma_start3A_256 : memref<128xi32, #tpu.memory_space<vmem>>) semaphore(%arg23 : memref<!tpu.dma_semaphore, #tpu.memory_space<semaphore_mem>>) {add = true}
      %eq3A_260 = arith.constant 0 : i32
      %eq3A_261 = arith.cmpi eq, %arg0, %eq3A_260 : i32
      %convert_element_type3A_262 = arith.extui %eq3A_261 : i1 to i32
      %cond3A_263 = arith.constant 0 : i32
      %cond3A_264 = arith.cmpi ne, %convert_element_type3A_262, %cond3A_263 : i32
      scf.if %cond3A_264 {
        "tpu.region"() ({
          %run_scoped3A = tpu.sem_alloc : memref<!tpu.dma_semaphore, #tpu.memory_space<semaphore_mem>>
          %dma_start3A_265 = arith.constant 0 : i32
          %dma_start3A_266 = tpu.memref_slice %arg11[%add3A_229, %dma_start3A_265] : memref<80x128xi32, #tpu.memory_space<vmem>> -> memref<1x128xi32, #tpu.memory_space<vmem>>
          %dma_start3A_267 = tpu.memref_squeeze %dma_start3A_266 : memref<1x128xi32, #tpu.memory_space<vmem>> -> memref<128xi32, #tpu.memory_space<vmem>>
          %dma_start3A_268 = arith.constant 0 : i32
          %dma_start3A_269 = arith.constant 0 : i32
          %dma_start3A_270 = tpu.memref_slice %arg15[%dma_start3A_268, %dma_start3A_269] : memref<10112x16xf32, #tpu.memory_space<vmem_shared>> -> memref<10112x16xf32, #tpu.memory_space<vmem_shared>>
          tpu.enqueue_indirect_dma source(%arg13 : memref<128x16xf32, #tpu.memory_space<vmem>>) target(%dma_start3A_270 : memref<10112x16xf32, #tpu.memory_space<vmem_shared>>) offsets(%dma_start3A_267 : memref<128xi32, #tpu.memory_space<vmem>>) semaphore(%run_scoped3A : memref<!tpu.dma_semaphore, #tpu.memory_space<semaphore_mem>>) {add = true}
          %dma_wait3A_271 = arith.constant 0 : i32
          %dma_wait3A_272 = tpu.memref_slice %arg11[%add3A_229, %dma_wait3A_271] : memref<80x128xi32, #tpu.memory_space<vmem>> -> memref<1x128xi32, #tpu.memory_space<vmem>>
          %dma_wait3A_273 = tpu.memref_squeeze %dma_wait3A_272 : memref<1x128xi32, #tpu.memory_space<vmem>> -> memref<128xi32, #tpu.memory_space<vmem>>
          %dma_wait3A_274 = arith.constant 0 : i32
          %dma_wait3A_275 = arith.constant 0 : i32
          %dma_wait3A_276 = tpu.memref_slice %arg15[%dma_wait3A_274, %dma_wait3A_275] : memref<10112x16xf32, #tpu.memory_space<vmem_shared>> -> memref<10112x16xf32, #tpu.memory_space<vmem_shared>>
          tpu.wait_indirect_dma semaphore(%run_scoped3A : memref<!tpu.dma_semaphore, #tpu.memory_space<semaphore_mem>>) src(%arg13 : memref<128x16xf32, #tpu.memory_space<vmem>>) dst(%dma_wait3A_276 : memref<10112x16xf32, #tpu.memory_space<vmem_shared>>)
          tpu.yield
        }) : () -> ()
      } else {
      }
    }
    %scan3A_48 = arith.constant 20 : i32
    %dma_wait3A = arith.constant 0 : i32
    %dma_wait3A_49 = arith.constant 0 : i32
    %dma_wait3A_50 = arith.constant 0 : i32
    %dma_wait3A_51 = arith.constant 0 : i32
    %dma_wait3A_52 = tpu.memref_slice %arg12[%dma_wait3A, %dma_wait3A_50, %dma_wait3A_51] : memref<4x128x128xbf16, #tpu.memory_space<vmem>> -> memref<1x128x128xbf16, #tpu.memory_space<vmem>>
    %dma_wait3A_53 = tpu.memref_squeeze %dma_wait3A_52 : memref<1x128x128xbf16, #tpu.memory_space<vmem>> -> memref<128x128xbf16, #tpu.memory_space<vmem>>
    %dma_wait3A_54 = arith.constant 0 : i32
    %dma_wait3A_55 = tpu.memref_slice %arg11[%dma_wait3A_49, %dma_wait3A_54] : memref<80x128xi32, #tpu.memory_space<vmem>> -> memref<1x128xi32, #tpu.memory_space<vmem>>
    %dma_wait3A_56 = tpu.memref_squeeze %dma_wait3A_55 : memref<1x128xi32, #tpu.memory_space<vmem>> -> memref<128xi32, #tpu.memory_space<vmem>>
    %dma_wait3A_57 = arith.constant 0 : i32
    %dma_wait3A_58 = arith.constant 0 : i32
    %dma_wait3A_59 = tpu.memref_slice %arg14[%dma_wait3A_57, %dma_wait3A_58] : memref<10112x128xbf16, #tpu.memory_space<vmem_shared>> -> memref<10112x128xbf16, #tpu.memory_space<vmem_shared>>
    tpu.wait_indirect_dma semaphore(%arg20 : memref<!tpu.dma_semaphore, #tpu.memory_space<semaphore_mem>>) src(%dma_wait3A_53 : memref<128x128xbf16, #tpu.memory_space<vmem>>) dst(%dma_wait3A_59 : memref<10112x128xbf16, #tpu.memory_space<vmem_shared>>)
    %dma_wait3A_60 = arith.constant 1 : i32
    %dma_wait3A_61 = arith.constant 0 : i32
    %dma_wait3A_62 = arith.constant 0 : i32
    %dma_wait3A_63 = arith.constant 0 : i32
    %dma_wait3A_64 = tpu.memref_slice %arg12[%dma_wait3A_60, %dma_wait3A_62, %dma_wait3A_63] : memref<4x128x128xbf16, #tpu.memory_space<vmem>> -> memref<1x128x128xbf16, #tpu.memory_space<vmem>>
    %dma_wait3A_65 = tpu.memref_squeeze %dma_wait3A_64 : memref<1x128x128xbf16, #tpu.memory_space<vmem>> -> memref<128x128xbf16, #tpu.memory_space<vmem>>
    %dma_wait3A_66 = arith.constant 0 : i32
    %dma_wait3A_67 = tpu.memref_slice %arg11[%dma_wait3A_61, %dma_wait3A_66] : memref<80x128xi32, #tpu.memory_space<vmem>> -> memref<1x128xi32, #tpu.memory_space<vmem>>
    %dma_wait3A_68 = tpu.memref_squeeze %dma_wait3A_67 : memref<1x128xi32, #tpu.memory_space<vmem>> -> memref<128xi32, #tpu.memory_space<vmem>>
    %dma_wait3A_69 = arith.constant 0 : i32
    %dma_wait3A_70 = arith.constant 0 : i32
    %dma_wait3A_71 = tpu.memref_slice %arg14[%dma_wait3A_69, %dma_wait3A_70] : memref<10112x128xbf16, #tpu.memory_space<vmem_shared>> -> memref<10112x128xbf16, #tpu.memory_space<vmem_shared>>
    tpu.wait_indirect_dma semaphore(%arg21 : memref<!tpu.dma_semaphore, #tpu.memory_space<semaphore_mem>>) src(%dma_wait3A_65 : memref<128x128xbf16, #tpu.memory_space<vmem>>) dst(%dma_wait3A_71 : memref<10112x128xbf16, #tpu.memory_space<vmem_shared>>)
    %dma_wait3A_72 = arith.constant 2 : i32
    %dma_wait3A_73 = arith.constant 0 : i32
    %dma_wait3A_74 = arith.constant 0 : i32
    %dma_wait3A_75 = arith.constant 0 : i32
    %dma_wait3A_76 = tpu.memref_slice %arg12[%dma_wait3A_72, %dma_wait3A_74, %dma_wait3A_75] : memref<4x128x128xbf16, #tpu.memory_space<vmem>> -> memref<1x128x128xbf16, #tpu.memory_space<vmem>>
    %dma_wait3A_77 = tpu.memref_squeeze %dma_wait3A_76 : memref<1x128x128xbf16, #tpu.memory_space<vmem>> -> memref<128x128xbf16, #tpu.memory_space<vmem>>
    %dma_wait3A_78 = arith.constant 0 : i32
    %dma_wait3A_79 = tpu.memref_slice %arg11[%dma_wait3A_73, %dma_wait3A_78] : memref<80x128xi32, #tpu.memory_space<vmem>> -> memref<1x128xi32, #tpu.memory_space<vmem>>
    %dma_wait3A_80 = tpu.memref_squeeze %dma_wait3A_79 : memref<1x128xi32, #tpu.memory_space<vmem>> -> memref<128xi32, #tpu.memory_space<vmem>>
    %dma_wait3A_81 = arith.constant 0 : i32
    %dma_wait3A_82 = arith.constant 0 : i32
    %dma_wait3A_83 = tpu.memref_slice %arg14[%dma_wait3A_81, %dma_wait3A_82] : memref<10112x128xbf16, #tpu.memory_space<vmem_shared>> -> memref<10112x128xbf16, #tpu.memory_space<vmem_shared>>
    tpu.wait_indirect_dma semaphore(%arg22 : memref<!tpu.dma_semaphore, #tpu.memory_space<semaphore_mem>>) src(%dma_wait3A_77 : memref<128x128xbf16, #tpu.memory_space<vmem>>) dst(%dma_wait3A_83 : memref<10112x128xbf16, #tpu.memory_space<vmem_shared>>)
    %dma_wait3A_84 = arith.constant 3 : i32
    %dma_wait3A_85 = arith.constant 0 : i32
    %dma_wait3A_86 = arith.constant 0 : i32
    %dma_wait3A_87 = arith.constant 0 : i32
    %dma_wait3A_88 = tpu.memref_slice %arg12[%dma_wait3A_84, %dma_wait3A_86, %dma_wait3A_87] : memref<4x128x128xbf16, #tpu.memory_space<vmem>> -> memref<1x128x128xbf16, #tpu.memory_space<vmem>>
    %dma_wait3A_89 = tpu.memref_squeeze %dma_wait3A_88 : memref<1x128x128xbf16, #tpu.memory_space<vmem>> -> memref<128x128xbf16, #tpu.memory_space<vmem>>
    %dma_wait3A_90 = arith.constant 0 : i32
    %dma_wait3A_91 = tpu.memref_slice %arg11[%dma_wait3A_85, %dma_wait3A_90] : memref<80x128xi32, #tpu.memory_space<vmem>> -> memref<1x128xi32, #tpu.memory_space<vmem>>
    %dma_wait3A_92 = tpu.memref_squeeze %dma_wait3A_91 : memref<1x128xi32, #tpu.memory_space<vmem>> -> memref<128xi32, #tpu.memory_space<vmem>>
    %dma_wait3A_93 = arith.constant 0 : i32
    %dma_wait3A_94 = arith.constant 0 : i32
    %dma_wait3A_95 = tpu.memref_slice %arg14[%dma_wait3A_93, %dma_wait3A_94] : memref<10112x128xbf16, #tpu.memory_space<vmem_shared>> -> memref<10112x128xbf16, #tpu.memory_space<vmem_shared>>
    tpu.wait_indirect_dma semaphore(%arg23 : memref<!tpu.dma_semaphore, #tpu.memory_space<semaphore_mem>>) src(%dma_wait3A_89 : memref<128x128xbf16, #tpu.memory_space<vmem>>) dst(%dma_wait3A_95 : memref<10112x128xbf16, #tpu.memory_space<vmem_shared>>)
    %barrier3A_96 = arith.constant 0 : index
    tpu.barrier barrier_id(%barrier3A_96)
    %mul3A_97 = arith.constant 625 : i32
    %mul3A_98 = arith.muli %arg1, %mul3A_97 : i32
    %mul3A_99 = arith.constant 10000 : i32
    %mul3A_100 = arith.muli %arg0, %mul3A_99 : i32
    %mul3A_101 = arith.constant 625 : i32
    %mul3A_102 = arith.muli %arg1, %mul3A_101 : i32
    %add3A_103 = arith.addi %mul3A_100, %mul3A_102 : i32
    "tpu.region"() ({
      %run_scoped3A = tpu.sem_alloc : memref<!tpu.dma_semaphore, #tpu.memory_space<semaphore_mem>>
      %dma_start3A_109 = arith.constant 0 : i32
      %dma_start3A_110 = tpu.memref_slice %arg8[%add3A_103, %dma_start3A_109] : memref<20000x128xbf16, #tpu.memory_space<hbm>> -> memref<625x128xbf16, #tpu.memory_space<hbm>>
      %dma_start3A_111 = arith.constant 0 : i32
      %dma_start3A_112 = tpu.memref_slice %arg14[%mul3A_98, %dma_start3A_111] : memref<10112x128xbf16, #tpu.memory_space<vmem_shared>> -> memref<625x128xbf16, #tpu.memory_space<vmem_shared>>
      tpu.enqueue_dma source(%dma_start3A_112 : memref<625x128xbf16, #tpu.memory_space<vmem_shared>>) target(%dma_start3A_110 : memref<625x128xbf16, #tpu.memory_space<hbm>>) target_semaphore(%run_scoped3A : memref<!tpu.dma_semaphore, #tpu.memory_space<semaphore_mem>>)
      %dma_wait3A_113 = arith.constant 0 : i32
      %dma_wait3A_114 = tpu.memref_slice %arg8[%add3A_103, %dma_wait3A_113] : memref<20000x128xbf16, #tpu.memory_space<hbm>> -> memref<625x128xbf16, #tpu.memory_space<hbm>>
      %dma_wait3A_115 = arith.constant 0 : i32
      %dma_wait3A_116 = tpu.memref_slice %arg14[%mul3A_98, %dma_wait3A_115] : memref<10112x128xbf16, #tpu.memory_space<vmem_shared>> -> memref<625x128xbf16, #tpu.memory_space<vmem_shared>>
      tpu.wait_dma2 semaphore(%run_scoped3A : memref<!tpu.dma_semaphore, #tpu.memory_space<semaphore_mem>>) src(%dma_wait3A_116 : memref<625x128xbf16, #tpu.memory_space<vmem_shared>>) dst(%dma_wait3A_114 : memref<625x128xbf16, #tpu.memory_space<hbm>>)
      tpu.yield
    }) : () -> ()
    %eq3A_104 = arith.constant 0 : i32
    %eq3A_105 = arith.cmpi eq, %arg0, %eq3A_104 : i32
    %convert_element_type3A_106 = arith.extui %eq3A_105 : i1 to i32
    %cond3A_107 = arith.constant 0 : i32
    %cond3A_108 = arith.cmpi ne, %convert_element_type3A_106, %cond3A_107 : i32
    scf.if %cond3A_108 {
      %mul3A_109 = arith.constant 632 : i32
      %mul3A_110 = arith.muli %arg1, %mul3A_109 : i32
      %mul3A_111 = arith.constant 632 : i32
      %mul3A_112 = arith.muli %arg1, %mul3A_111 : i32
      "tpu.region"() ({
        %run_scoped3A = tpu.sem_alloc : memref<!tpu.dma_semaphore, #tpu.memory_space<semaphore_mem>>
        %dma_start3A_113 = arith.constant 0 : i32
        %dma_start3A_114 = tpu.memref_slice %arg9[%mul3A_112, %dma_start3A_113] : memref<10112x16xf32, #tpu.memory_space<hbm>> -> memref<632x16xf32, #tpu.memory_space<hbm>>
        %dma_start3A_115 = arith.constant 0 : i32
        %dma_start3A_116 = tpu.memref_slice %arg15[%mul3A_110, %dma_start3A_115] : memref<10112x16xf32, #tpu.memory_space<vmem_shared>> -> memref<632x16xf32, #tpu.memory_space<vmem_shared>>
        tpu.enqueue_dma source(%dma_start3A_116 : memref<632x16xf32, #tpu.memory_space<vmem_shared>>) target(%dma_start3A_114 : memref<632x16xf32, #tpu.memory_space<hbm>>) target_semaphore(%run_scoped3A : memref<!tpu.dma_semaphore, #tpu.memory_space<semaphore_mem>>)
        %dma_wait3A_117 = arith.constant 0 : i32
        %dma_wait3A_118 = tpu.memref_slice %arg9[%mul3A_112, %dma_wait3A_117] : memref<10112x16xf32, #tpu.memory_space<hbm>> -> memref<632x16xf32, #tpu.memory_space<hbm>>
        %dma_wait3A_119 = arith.constant 0 : i32
        %dma_wait3A_120 = tpu.memref_slice %arg15[%mul3A_110, %dma_wait3A_119] : memref<10112x16xf32, #tpu.memory_space<vmem_shared>> -> memref<632x16xf32, #tpu.memory_space<vmem_shared>>
        tpu.wait_dma2 semaphore(%run_scoped3A : memref<!tpu.dma_semaphore, #tpu.memory_space<semaphore_mem>>) src(%dma_wait3A_120 : memref<632x16xf32, #tpu.memory_space<vmem_shared>>) dst(%dma_wait3A_118 : memref<632x16xf32, #tpu.memory_space<hbm>>)
        tpu.yield
      }) : () -> ()
    } else {
    }
    return
  }
}

</mosaic_0001>

<sc_bundles>
// kernel: _sc_aggregate.3.cloned.1.call-start
scs
__scs_entry_jumppad:
0x0: {  	(pc) =	sbr.rel $0x88, $3  }
0x1: {  	(tag) =	ssettag $0x0;
	lr =	simm.s32 $0x1  }
0x2: {  	[smem:$0x3F9B] =	sst lr;
	_ =	strace $0xD0000000  }
0x3: {  	_ = 	snop  }
0x4: {  	_ = 	snop  }
0x5: {  	_ = 	snop  }
0x6: {  	_ = 	snop  }
0x7: {  	_ = 	snop  }
__scs_overlays_trampoline_lowered:
0x8: {  	[smem:$0x3FAA] =	sst s0  }
0x9: {  	[smem:$0x3FAB] =	sst s1  }
0xa: {  	[smem:$0x3FAC] =	sst s2  }
0xb: {  	[smem:$0x3FAD] =	sst s3  }
0xc: {  	[smem:$0x3FAE] =	sst s4  }
0xd: {  	[smem:$0x3FAF] =	sst s5  }
0xe: {  	[smem:$0x3FB0] =	sst s6  }
0xf: {  	[smem:$0x3FB1] =	sst s7  }
0x10: {  	[smem:$0x3FB2] =	sst s8  }
0x11: {  	[smem:$0x3FB3] =	sst s9;
	s0 =	simm.s32 @!p0 $0x0  }
0x12: {  	s1 =	sld [smem:$0x3F99];
	s0 =	simm.s32 @p0 $0x1  }
0x13: {  	[smem:$0x3FB4] =	sst s0;
	s0 =	simm.s32 @!p1 $0x0  }
0x14: {  	s2 =	sld [smem:$0x3F98];
	s0 =	simm.s32 @p1 $0x1  }
0x15: {  	[smem:$0x3FB5] =	sst s0;
	s0 =	simm.s32 @!p2 $0x0  }
0x16: {  	s3 =	sld [smem:$0x3FDB];
	s0 =	simm.s32 @p2 $0x1  }
0x17: {  	s4 =	simm.s32 $0x1BF5;
	[smem:$0x3FB7] =	sst s0  }
0x18: {  	s0 =	sld [smem:$0x3F9A];
	_ =	swait.ge [sflag:s4], $0x0  }
0x19: {  	s7 =	sld [smem:$0x3F9B]  }
0x1a: {  	s8 =	sadd.s32 $0xFFFFE003, lr  }
0x1b: {  	s9 =	sadd.s32 $0xFFFFFEF7, lr;
	s5 =	simm.s32 $0xFFFFFFFF;
	p2 =	slt.u32 s8, $0xFFFFF086  }
0x1c: {  	p1 =	slt.u32 s9, $0xF7A;
	s5 =	simm.s32 @!p2 $0x0  }
0x1d: {  	s5 =	simm.s32 @p1 $0x1;
	p0 =	seq.s32 s7, s2  }
0x1e: {  	s7 =	smul.u32 @!p0 $0xF7A, s2;
	p2 =	seq.s32 @!p0 s5, $0x0  }
0x1f: {  	s9 =	smul.u32 $0xF7A, s1;
	s8 =	simm.s32 @!p0 $0x1BF5;
	p2 =	por !p2, p0  }
0x20: {  	[sflag:s8] =	ssyncset.s32 @!p0 $0xFFFFF086;
	s6 =	sadd.s32 @!p0 s3, s7;
	s7 =	simm.s32 @!p0 $0x108  }
0x21: {  	s3 =	sadd.s32 s3, s9;
	s6 =	sadd.s32 @!p0 $0x88, s6;
	s7 =	simm.s32 @p2 $0x1082  }
0x22: {  	[simem:s7], [sflag:s8] =	dma.local @!p0 [hbm:s6], $0xF7A  }
0x23: {  	s9 =	sor.u32 $0xD0000000, s2;
	s6 =	simm.s32 $0x108;
	_ =	swait.ge @!p0 [sflag:s8], $0x0  }
0x24: {  	s3 =	sadd.s32 $0x88, s3;
	s6 =	simm.s32 @!p1 $0x1082;
	[sflag:s4] =	ssyncset.s32 $0xFFFFF086  }
0x25: {  	[simem:s6], [sflag:s4] =	dma.local [hbm:s3], $0xF7A  }
0x26: {  	[smem:$0x3F9B] =	sst s1;
	(tag) =	ssettag s2;
	_ =	strace s9  }
0x27: {  	s1 =	sld [smem:$0x3FAB]  }
0x28: {  	s2 =	sld [smem:$0x3FAC]  }
0x29: {  	s4 =	sld [smem:$0x3FAE]  }
0x2a: {  	p0 =	seq.s32 s5, $0x0;
	s5 =	sld [smem:$0x3FAF]  }
0x2b: {  	s6 =	sld [smem:$0x3FB0]  }
0x2c: {  	s7 =	sld [smem:$0x3FB1]  }
0x2d: {  	s3 =	simm.s32 $0x108;
	s8 =	sld [smem:$0x3FB2]  }
0x2e: {  	s3 =	simm.s32 @!p0 $0x1082;
	s9 =	sld [smem:$0x3FB3]  }
0x2f: {  	lr =	sadd.s32 s0, s3;
	s0 =	sld [smem:$0x3FAA]  }
0x30: {  	s3 =	sld [smem:$0x3FAD]  }
0x31: {  	[smem:$0x3FB6] =	sst s10  }
0x32: {  	s10 =	sld [smem:$0x3FB4];
	_ =	sdelay $0x3  }
0x33: {  	p0 =	seq.s32 s10, $0x1;
	s10 =	sld [smem:$0x3FB6];
	_ =	sdelay $0x3  }
0x34: {  	[smem:$0x3FB6] =	sst s10  }
0x35: {  	s10 =	sld [smem:$0x3FB5];
	_ =	sdelay $0x3  }
0x36: {  	p1 =	seq.s32 s10, $0x1;
	s10 =	sld [smem:$0x3FB6];
	_ =	sdelay $0x3  }
0x37: {  	[smem:$0x3FB6] =	sst s10  }
0x38: {  	s10 =	sld [smem:$0x3FB7]  }
0x39: {  	_ = 	snop;
	(pc) =	sbr.ind lr, $3  }
0x3a: {  	_ = 	snop  }
0x3b: {  	_ = 	snop  }
0x3c: {  	p2 =	seq.s32 s10, $0x1;
	s10 =	sld [smem:$0x3FB6]  }
0x3d: {  	_ =	shalt  }
0x3e: {  	_ =	shalt  }
0x3f: {  	_ =	shalt  }
0x40: {  	_ =	shalt  }
0x41: {  	_ =	shalt  }
0x42: {  	_ =	shalt  }
0x43: {  	_ =	shalt  }
0x44: {  	_ =	shalt  }
0x45: {  	_ =	shalt  }
0x46: {  	_ =	shalt  }
0x47: {  	_ =	shalt  }
0x48: {  	_ =	shalt  }
0x49: {  	_ =	shalt  }
0x4a: {  	_ =	shalt  }
0x4b: {  	_ =	shalt  }
0x4c: {  	_ =	shalt  }
0x4d: {  	_ =	shalt  }
0x4e: {  	_ =	shalt  }
0x4f: {  	_ =	shalt  }
0x50: {  	_ =	shalt  }
0x51: {  	_ =	shalt  }
0x52: {  	_ =	shalt  }
0x53: {  	_ =	shalt  }
0x54: {  	_ =	shalt  }
0x55: {  	_ =	shalt  }
0x56: {  	_ =	shalt  }
0x57: {  	_ =	shalt  }
0x58: {  	_ =	shalt  }
0x59: {  	_ =	shalt  }
0x5a: {  	_ =	shalt  }
0x5b: {  	_ =	shalt  }
0x5c: {  	_ =	shalt  }
0x5d: {  	_ =	shalt  }
0x5e: {  	_ =	shalt  }
0x5f: {  	_ =	shalt  }
0x60: {  	_ =	shalt  }
0x61: {  	_ =	shalt  }
0x62: {  	_ =	shalt  }
0x63: {  	_ =	shalt  }
0x64: {  	_ =	shalt  }
0x65: {  	_ =	shalt  }
0x66: {  	_ =	shalt  }
0x67: {  	_ =	shalt  }
0x68: {  	_ =	shalt  }
0x69: {  	_ =	shalt  }
0x6a: {  	_ =	shalt  }
0x6b: {  	_ =	shalt  }
0x6c: {  	_ =	shalt  }
0x6d: {  	_ =	shalt  }
0x6e: {  	_ =	shalt  }
0x6f: {  	_ =	shalt  }
0x70: {  	_ =	shalt  }
0x71: {  	_ =	shalt  }
0x72: {  	_ =	shalt  }
0x73: {  	_ =	shalt  }
0x74: {  	_ =	shalt  }
0x75: {  	_ =	shalt  }
0x76: {  	_ =	shalt  }
0x77: {  	_ =	shalt  }
0x78: {  	_ =	shalt  }
0x79: {  	_ =	shalt  }
0x7a: {  	_ =	shalt  }
0x7b: {  	_ =	shalt  }
0x7c: {  	_ =	shalt  }
0x7d: {  	_ =	shalt  }
0x7e: {  	_ =	shalt  }
0x7f: {  	_ =	shalt  }
0x80: {  	_ =	shalt  }
0x81: {  	_ =	shalt  }
0x82: {  	_ =	shalt  }
0x83: {  	_ =	shalt  }
0x84: {  	_ =	shalt  }
0x85: {  	_ =	shalt  }
0x86: {  	_ =	shalt  }
0x87: {  	_ =	shalt  }
.Lfunc_end0:
.L_simem_size_0:
called_computation_lowered:
.L_overlay_start_0:
0x88: {  	s2 =	sld [smem:$0x3FD9]  }
0x89: {  	s3 =	sld [smem:$0x3FFE];
	_ =	sdelay $0x1  }
0x8a: {  	s1 =	srdreg.scid  }
0x8b: {  	s0 =	sand.u32 $0x1, s1  }
0x8c: {  	s14 =	sshll.u32 s0, $0xA;
	s2 =	sadd.s32 s3, s2  }
0x8d: {  	s2 =	sadd.s32 s2, s14  }
0x8e: {  	[smem:$0x3FC2] =	sst s2  }
0x8f: {  	_ = 	snop  }
0x90: {  	s2 =	sld [smem:$0x3FD0];
	_ =	sdelay $0x1  }
0x91: {  	s15 =	sld [smem:$0x3FC8]  }
0x92: {  	s5 =	simm.s32 $0xA;
	s6 =	simm.s32 $0x10;
	s4 =	sld [smem:$0x3FC7]  }
0x93: {  	[smem:s6], [sflag:s5] =	dma.local [hbm:s2], $0x1  }
0x94: {  	_ =	swait.eq [sflag:s5], $0x1  }
0x95: {  	[sflag:s5] =	ssyncset.done $0x0  }
0x96: {  	s16 =	sld [smem:$0x10];
	[sflag:s5] =	ssyncadd.s32 $0xFFFFFFFF  }
0x97: {  	s17 =	sld [smem:$0x11];
	(tm) =	ssettm $0x1  }
0x98: {  	s18 =	sld [smem:$0x3FFB];
	_ =	sdelay $0x3  }
0x99: {  	_ =	strace s18  }
0x9a: {  	s6 =	sld [smem:$0x3FFC];
	_ =	sdelay $0x3  }
0x9b: {  	_ =	strace s6  }
0x9c: {  	s6 =	sld [smem:$0x3FFD];
	_ =	sdelay $0x3  }
0x9d: {  	_ =	strace s6  }
0x9e: {  	_ =	strace $0x8FFFFFFF  }
0x9f: {  	s19 =	sld [smem:$0x3FDB];
	_ =	sdelay $0x1  }
0xa0: {  	s7 =	simm.s32 $_scs_section_size  }
0xa1: {  	s8 =	simm.s32 $_size__tile_overlayer_lowered;
	s9 =	simm.s32 $_tile_overlayer_lowered  }
0xa2: {  	s22 =	simm.s32 $0x1BFF;
	s21 =	sshll.u32 s9, $0x1;
	s6 =	sadd.s32 s7, s19  }
0xa3: {  	s10 =	simm.s32 $0x0;
	s20 =	sshll.u32 s8, $0x1;
	s8 =	sadd.s32 s21, s6  }
0xa4: {  	[timem:s10], [sflag:s22] =	dma.local [hbm:s8], s20  }
0xa5: {  	_ =	swait.ge [sflag:s22], s20  }
0xa6: {  	s7 =	ssub.s32 $0x0, s20;
	[sflag:s22] =	ssyncset.done $0x0  }
0xa7: {  	[sflag:s22] =	ssyncadd.s32 s7;
	_ =	sdelay $0x1  }
0xa8: {  	s23 =	simm.s32 $0x1B8B  }
0xa9: {  	_ =	swait.ge [sflag:s23], $0x1  }
0xaa: {  	[sflag:s23] =	ssyncset.done $0x0  }
0xab: {  	s25 =	simm.s32 $0x1B8E;
	s24 =	sld [smem:$0x3FFE];
	[sflag:s23] =	ssyncadd.s32 $0xFFFFFFFF  }
0xac: {  	s26 =	simm.s32 $execute0_lowered;
	[smem:$0x3FD2] =	sst s25  }
0xad: {  	s8 =	sshll.u32 s26, $0x1;
	_ =	strace $0x80000046;
	[dreg:$0x1] =	wrdreg $0xFFFFFFFF  }
0xae: {  	s28 =	simm.s32 $_size_execute0_lowered;
	s6 =	sadd.s32 s6, s8;
	[dreg:$0x0] =	wrdreg $0x0  }
0xaf: {  	s8 =	sshll.u32 s28, $0x1;
	[dreg:$0x2] =	wrdreg s6  }
0xb0: {  	[dreg:$0x3] =	wrdreg s8  }
0xb1: {  	[dreg:$0x4] =	wrdreg $0xC0  }
0xb2: {  	_ =	task [dreg:s10], $0x5FFFF  }
0xb3: {  	[dreg:$0x1] =	wrdreg $0xFFFFFFFF  }
0xb4: {  	[dreg:$0x0] =	wrdreg $0x60  }
0xb5: {  	[dreg:$0x2] =	wrdreg s16  }
0xb6: {  	[dreg:$0x3] =	wrdreg s15  }
0xb7: {  	[dreg:$0x4] =	wrdreg s4  }
0xb8: {  	[dreg:$0x5] =	wrdreg s24  }
0xb9: {  	[dreg:$0x6] =	wrdreg s17  }
0xba: {  	[dreg:$0x7] =	wrdreg $0xD8000  }
0xbb: {  	[dreg:$0x8] =	wrdreg $0x176000  }
0xbc: {  	[dreg:$0x9] =	wrdreg $0x9  }
0xbd: {  	_ =	task.clear_ibuf [dreg:s10], $0xAFFFF;
	_ =	strace $0x90000046  }
0xbe: {  	s29 =	simm.s32 $0x9;
	_ =	strace $0x80000048  }
0xbf: {  	_ =	swait.ge [sflag:s29], $0x1  }
0xc0: {  	[sflag:s29] =	ssyncadd.s32 $0xFFFFFFFF  }
0xc1: {  	_ =	strace $0x90000048  }
0xc2: {  	_ =	sfence  }
0xc3: {  	s30 =	sld [smem:$0x0];
	_ =	sdelay $0x2  }
0xc4: {  	s31 =	sshll.u32 s1, $0xD;
	s1 =	sshrl.u32 s1, $0x2  }
0xc5: {  	s3 =	sand.u32 $0x4000, s31;
	s1 =	sadd.s32 s1, s30  }
0xc6: {  	s0 =	sor.u32 s3, s0;
	s1 =	sshll.u32 s1, $0x11  }
0xc7: {  	s0 =	sor.u32 s1, s0  }
0xc8: {  	s0 =	sadd.s32 $0x8F2B, s0  }
0xc9: {  	[sflag:s0] =	ssyncadd.remote.s32 $0x1  }
0xca: {  	_ =	sfence.sel $0xFFFF  }
0xcb: {  	[dreg:$0x0] =	wrdreg $0xFFFFFFFF;
	(pc) =	sbr.abs _section_cstart, $3  }
0xcc: {  	[dreg:$0x1] =	wrdreg $0xFFFFFFFF  }
0xcd: {  	_ =	task.clear_ibuf [dreg:s10], $0x2FFFF;
	_ =	strace $0x9FFFFFFF  }
0xce: {  	(tm) =	ssettm $0x7FFFFFFF  }
0xcf: {  	_ =	shalt  }
tec
execute0_lowered:
.L_overlay_start_1:
0x0: {  	(tag) =	ssettag $0x1  }
0x1: {  	s0 =	rddreg [dreg:$0x0]  }
0x2: {  	s1 =	rddreg [dreg:$0x1]  }
0x3: {  	s4 =	rddreg [dreg:$0x2]  }
0x4: {  	s6 =	rddreg [dreg:$0x3]  }
0x5: {  	s7 =	rddreg [dreg:$0x4]  }
0x6: {  	s2 =	rddreg [dreg:$0x5]  }
0x7: {  	s3 =	rddreg [dreg:$0x6];
	s15 =	stileid.u32  }
0x8: {  	s5 =	srdreg.scid;
	s10 =	smul.u32 $0x1388, s15  }
0x9: {  	s29 =	simm.s32 $0x7000;
	s30 =	simm.s32 $0x7;
	s26 =	smul.u32 $0x500, s15  }
0xa: {  	s28 =	simm.s32 $0x1;
	s31 =	simm.s32 $0x6;
	s13 =	smul.u32 $0x27800, s15  }
0xb: {  	s8 =	sand.u32 $0x1, s5;
	s5 =	simm.s32 $0x0;
	s14 =	smul.u32 $0x9E00, s15  }
0xc: {  	s11 =	sadd.s32 $0xC00, s6;
	s12 =	sadd.s32 $0x2000, s6;
	s19 =	smul.u32 $0x27100, s15  }
0xd: {  	s25 =	sadd.s32 $0xA00, s6;
	s21 =	smul.u32 $0x2780, s15;
	[smem:$0x7FF] =	sst s5  }
0xe: {  	s9 =	smul.u32 $0x13880, s8;
	_ =	strace $0x80000047;
	[dreg:$0x8] =	wrdreg s11  }
0xf: {  	s24 =	smul.u32 $0x5000, s8;
	s16 =	ssub.s32 $0x2, s8;
	[dreg:$0x9] =	wrdreg s12  }
0x10: {  	p0 =	sne.s32 s8, $0x0;
	[dreg:$0xa] =	wrdreg s25;
	s17 =	sshrl.u32 s16, $0x1  }
0x11: {  	s20 =	sshrl.u32 s13, $0x2;
	s4 =	sadd.s32 s4, s26;
	s22 =	sshrl.u32 s14, $0x2  }
0x12: {  	s11 =	sshrl.u32 s19, $0x2;
	s23 =	sshrl.u32 s21, $0x3;
	s14 =	simm.s32 $0x9  }
0x13: {  	s25 =	sshll.u32 s15, $0x6;
	s15 =	simm.s32 $0x3;
	s9 =	sadd.s32 s10, s9  }
0x14: {  	s18 =	sadd.s32 s26, s24;
	[dreg:$0xc] =	wrdreg s4;
	s4 =	sadd.s32 s22, s3  }
0x15: {  	s24 =	sadd.s32 s11, s2;
	s7 =	sadd.s32 s7, s23;
	s23 =	simm.s32 $0x5000  }
0x16: {  	s22 =	simm.s32 $0x8;
	s6 =	sadd.s32 s9, s6;
	s9 =	ssub.s32 s16, s17  }
0x17: {  	s1 =	sadd.s32 s1, s18;
	[dreg:$0xe] =	wrdreg s7;
	s7 =	sadd.s32 s21, s3  }
0x18: {  	s17 =	sor.u32 $0x1C09, s25;
	s21 =	simm.s32 $0x80;
	s26 =	sshrl.u32 s24, $0x3  }
0x19: {  	s16 =	simm.s32 $0xB000;
	[dreg:$0xb] =	wrdreg s1;
	s1 =	sadd.s32 s20, s2  }
0x1a: {  	s6 =	sadd.s32 $0x2600, s6;
	s9 =	smax.u32 s9, $0x1;
	[dreg:$0x12] =	wrdreg s26  }
0x1b: {  	s20 =	simm.s32 $0x5;
	s25 =	sshrl.u32 @!p0 s7, $0x3;
	[dreg:$0xd] =	wrdreg s6  }
0x1c: {  	s26 =	simm.s32 $0x2;
	[dreg:$0xf] =	wrdreg s9;
	s1 =	sshrl.u32 s1, $0x3  }
0x1d: {  	s6 =	simm.s32 $0x0;
	[dreg:$0x10] =	wrdreg s1;
	s1 =	sshrl.u32 @!p0 s4, $0x3  }
0x1e: {  	s4 =	simm.s32 $0x4;
	[dreg:$0x11] =	wrdreg s1;
	s1 =	simm.s32 $0x9000  }
.LBB2_1:
0x1f: {  	s7 =	rddreg [dreg:$0xb]  }
0x20: {  	[tilespmem:s5], [sflag:$0x9] =	stream.linear.gather [hbm4b:s7+s5], $0x2800, $0x38;
	[tilespmem:$0x19D80] =	vst v63  }
0x21: {  	_ =	swait.ge [sflag:s14], $0x2800  }
0x22: {  	[sflag:s14] =	ssyncset.done $0x0  }
0x23: {  	s8 =	simm.s32 $0x2800;
	s11 =	rddreg [dreg:$0xc];
	[sflag:s14] =	ssyncadd.s32 $0xFFFFD800  }
0x24: {  	[tilespmem:s8], [sflag:$0x9] =	stream.linear.gather [hbm4b:s11+s5], $0x2800, $0x38;
	[tilespmem:$0x19D80] =	vst v63  }
0x25: {  	_ =	swait.ge [sflag:s14], $0x2800  }
0x26: {  	[sflag:s14] =	ssyncset.done $0x0  }
0x27: {  	s13 =	simm.s32 $0xD000;
	s12 =	rddreg [dreg:$0xa];
	[sflag:s14] =	ssyncadd.s32 $0xFFFFD800  }
0x28: {  	[tilespmem:s13], [sflag:$0x9] =	stream.linear.gather [hbm4b:s12+s5], $0x800, $0x38;
	[tilespmem:$0x19D80] =	vst v63  }
0x29: {  	_ =	swait.ge [sflag:s14], $0x800  }
0x2a: {  	[sflag:s14] =	ssyncset.done $0x0;
	s18 =	rddreg [dreg:$0x8]  }
0x2b: {  	s19 =	rddreg [dreg:$0x10];
	[sflag:s14] =	ssyncadd.s32 $0xFFFFF800  }
0x2c: {  	[spmem:s19], [sflag:s17] =	dma.local [hbm:s18], $0x13C0  }
0x2d: {  	_ =	swait.ge [sflag:s14], $0x13C0  }
0x2e: {  	[sflag:s14] =	ssyncset.done $0x0  }
0x2f: {  	s7 =	simm.s32 @p0 $0x0;
	[sflag:s14] =	ssyncadd.s32 $0xFFFFEC40  }
0x30: {  	s11 =	simm.s32 @p0 $0x80;
	s8 =	simm.s32 @p0 $0x5000;
	[bflag:$0x0] =	sbarrier.arrive @p0 $0xFFFF  }
0x31: {  	[tilespmem:s8], [sflag:$0x1] =	stream.indirect.gather @p0 [hbm4b:s0+s11], $0x40, s7, s11, $0xb8;
	[tilespmem:$0x19D80] =	vst v63  }
0x32: {  	s12 =	simm.s32 @p0 $0x7000  }
0x33: {  	[tilespmem:s12], [sflag:$0x2] =	stream.indirect.gather @p0 [hbm4b:s0+s11], $0x40, s11, s11, $0xb8;
	[tilespmem:$0x19D80] =	vst v63  }
0x34: {  	s13 =	simm.s32 @p0 $0x9000;
	s7 =	simm.s32 @p0 $0x100  }
0x35: {  	[tilespmem:s13], [sflag:$0x3] =	stream.indirect.gather @p0 [hbm4b:s0+s11], $0x40, s7, s11, $0xb8;
	[tilespmem:$0x19D80] =	vst v63  }
0x36: {  	s9 =	simm.s32 @p0 $0xB000;
	s7 =	simm.s32 @p0 $0x180  }
0x37: {  	[tilespmem:s9], [sflag:$0x4] =	stream.indirect.gather @p0 [hbm4b:s0+s11], $0x40, s7, s11, $0xb8;
	[tilespmem:$0x19D80] =	vst v63  }
0x38: {  	s7 =	simm.s32 @p0 $0x1  }
0x39: {  	_ =	swait.ge @p0 [sflag:s7], $0x2000  }
0x3a: {  	[sflag:s7] =	ssyncset.done @p0 $0x0  }
0x3b: {  	[sflag:s7] =	ssyncadd.s32 @p0 $0xFFFFE000;
	s7 =	simm.s32 @p0 $0x2800  }
0x3c: {  	[spmem:s2] =	stream.indirect.scatter.add.bf16 @p0 [tilespmem:s8], [sflag:$0x5], $0x40, s7, s11, $0xb8;
	[tilespmem:$0x19D80] =	vst v63  }
0x3d: {  	s7 =	rddreg [dreg:$0x9]  }
0x3e: {  	s8 =	rddreg [dreg:$0x11]  }
0x3f: {  	[spmem:s8], [sflag:s17] =	dma.local @!p0 [hbm:s7], $0x4F0  }
0x40: {  	s7 =	simm.s32 @!p0 $0x9  }
0x41: {  	_ =	swait.ge @!p0 [sflag:s7], $0x4F0  }
0x42: {  	[sflag:s7] =	ssyncset.done @!p0 $0x0  }
0x43: {  	s10 =	simm.s32 @!p0 $0x5000;
	[sflag:s7] =	ssyncadd.s32 @!p0 $0xFFFFFB10  }
0x44: {  	s9 =	simm.s32 @!p0 $0x0;
	s8 =	simm.s32 @!p0 $0x80;
	[bflag:$0x0] =	sbarrier.arrive @!p0 $0xFFFF  }
0x45: {  	[tilespmem:s10], [sflag:$0x1] =	stream.indirect.gather @!p0 [hbm4b:s0+s8], $0x40, s9, s8, $0xb8;
	[tilespmem:$0x19D80] =	vst v63  }
0x46: {  	s18 =	simm.s32 @!p0 $0x7000  }
0x47: {  	[tilespmem:s18], [sflag:$0x2] =	stream.indirect.gather @!p0 [hbm4b:s0+s8], $0x40, s8, s8, $0xb8;
	[tilespmem:$0x19D80] =	vst v63  }
0x48: {  	s19 =	simm.s32 @!p0 $0x9000;
	s9 =	simm.s32 @!p0 $0x100  }
0x49: {  	[tilespmem:s19], [sflag:$0x3] =	stream.indirect.gather @!p0 [hbm4b:s0+s8], $0x40, s9, s8, $0xb8;
	[tilespmem:$0x19D80] =	vst v63  }
0x4a: {  	s24 =	simm.s32 @!p0 $0xB000;
	s9 =	simm.s32 @!p0 $0x180  }
0x4b: {  	[tilespmem:s24], [sflag:$0x4] =	stream.indirect.gather @!p0 [hbm4b:s0+s8], $0x40, s9, s8, $0xb8;
	[tilespmem:$0x19D80] =	vst v63  }
0x4c: {  	s9 =	simm.s32 @!p0 $0x1  }
0x4d: {  	_ =	swait.ge @!p0 [sflag:s9], $0x2000  }
0x4e: {  	[sflag:s9] =	ssyncset.done @!p0 $0x0  }
0x4f: {  	s24 =	simm.s32 @!p0 $0x2800;
	[sflag:s9] =	ssyncadd.s32 @!p0 $0xFFFFE000  }
0x50: {  	[spmem:s2] =	stream.indirect.scatter.add.bf16 @!p0 [tilespmem:s10], [sflag:$0x5], $0x40, s24, s8, $0xb8;
	[tilespmem:$0x19D80] =	vst v63  }
0x51: {  	s9 =	simm.s32 @!p0 $0xD000;
	s10 =	simm.s32 @!p0 $0xA  }
0x52: {  	[spmem:s3] =	stream.indirect.scatter.add.f32 @!p0 [tilespmem:s9], [sflag:$0xA], $0x10, s24, s8, $0xb8;
	[tilespmem:$0x19D80] =	vst v63  }
0x53: {  	_ =	swait.ge @!p0 [sflag:s10], $0x800  }
0x54: {  	[sflag:s10] =	ssyncset.done @!p0 $0x0  }
0x55: {  	[sflag:s10] =	ssyncadd.s32 @!p0 $0xFFFFF800  }
0x56: {  	_ =	swait.ge [sflag:s20], $0x2000  }
0x57: {  	[sflag:s20] =	ssyncset.done $0x0  }
0x58: {  	s24 =	simm.s32 $0x200;
	[sflag:s20] =	ssyncadd.s32 $0xFFFFE000  }
0x59: {  	[tilespmem:s23], [sflag:$0x1] =	stream.indirect.gather [hbm4b:s0+s21], $0x40, s24, s21, $0xb8;
	[tilespmem:$0x19D80] =	vst v63  }
0x5a: {  	_ =	swait.ge [sflag:s26], $0x2000  }
0x5b: {  	[sflag:s26] =	ssyncset.done $0x0  }
0x5c: {  	s24 =	simm.s32 $0x2880;
	[sflag:s26] =	ssyncadd.s32 $0xFFFFE000  }
0x5d: {  	[spmem:s2] =	stream.indirect.scatter.add.bf16 [tilespmem:s29], [sflag:$0x6], $0x40, s24, s21, $0xb8;
	[tilespmem:$0x19D80] =	vst v63  }
0x5e: {  	s24 =	simm.s32 @p0 $0x6  }
0x5f: {  	_ =	swait.ge @p0 [sflag:s24], $0x2000  }
0x60: {  	[sflag:s24] =	ssyncset.done @p0 $0x0  }
0x61: {  	[sflag:s24] =	ssyncadd.s32 @p0 $0xFFFFE000;
	s24 =	simm.s32 @p0 $0x280  }
0x62: {  	[tilespmem:s12], [sflag:$0x2] =	stream.indirect.gather @p0 [hbm4b:s0+s11], $0x40, s24, s11, $0xb8;
	[tilespmem:$0x19D80] =	vst v63  }
0x63: {  	s12 =	simm.s32 @p0 $0x3  }
0x64: {  	_ =	swait.ge @p0 [sflag:s12], $0x2000  }
0x65: {  	[sflag:s12] =	ssyncset.done @p0 $0x0  }
0x66: {  	[sflag:s12] =	ssyncadd.s32 @p0 $0xFFFFE000;
	s12 =	simm.s32 @p0 $0x2900  }
0x67: {  	[spmem:s2] =	stream.indirect.scatter.add.bf16 @p0 [tilespmem:s13], [sflag:$0x7], $0x40, s12, s11, $0xb8;
	[tilespmem:$0x19D80] =	vst v63  }
0x68: {  	s11 =	simm.s32 @!p0 $0x2880  }
0x69: {  	[spmem:s3] =	stream.indirect.scatter.add.f32 @!p0 [tilespmem:s9], [sflag:$0xA], $0x10, s11, s8, $0xb8;
	[tilespmem:$0x19D80] =	vst v63  }
0x6a: {  	_ =	swait.ge @!p0 [sflag:s10], $0x800  }
0x6b: {  	[sflag:s10] =	ssyncset.done @!p0 $0x0  }
0x6c: {  	s11 =	simm.s32 @!p0 $0x6;
	[sflag:s10] =	ssyncadd.s32 @!p0 $0xFFFFF800  }
0x6d: {  	_ =	swait.ge @!p0 [sflag:s11], $0x2000  }
0x6e: {  	[sflag:s11] =	ssyncset.done @!p0 $0x0  }
0x6f: {  	[sflag:s11] =	ssyncadd.s32 @!p0 $0xFFFFE000;
	s11 =	simm.s32 @!p0 $0x280  }
0x70: {  	[tilespmem:s18], [sflag:$0x2] =	stream.indirect.gather @!p0 [hbm4b:s0+s8], $0x40, s11, s8, $0xb8;
	[tilespmem:$0x19D80] =	vst v63  }
0x71: {  	s11 =	simm.s32 @!p0 $0x3  }
0x72: {  	_ =	swait.ge @!p0 [sflag:s11], $0x2000  }
0x73: {  	[sflag:s11] =	ssyncset.done @!p0 $0x0  }
0x74: {  	[sflag:s11] =	ssyncadd.s32 @!p0 $0xFFFFE000;
	s11 =	simm.s32 @!p0 $0x2900  }
0x75: {  	[spmem:s2] =	stream.indirect.scatter.add.bf16 @!p0 [tilespmem:s19], [sflag:$0x7], $0x40, s11, s8, $0xb8;
	[tilespmem:$0x19D80] =	vst v63  }
0x76: {  	_ = 	snop  }
0x77: {  	[spmem:s3] =	stream.indirect.scatter.add.f32 @!p0 [tilespmem:s9], [sflag:$0xA], $0x10, s11, s8, $0xb8;
	[tilespmem:$0x19D80] =	vst v63  }
0x78: {  	_ =	swait.ge @!p0 [sflag:s10], $0x800  }
0x79: {  	[sflag:s10] =	ssyncset.done @!p0 $0x0  }
0x7a: {  	[sflag:s10] =	ssyncadd.s32 @!p0 $0xFFFFF800  }
0x7b: {  	_ =	swait.ge [sflag:s30], $0x2000  }
0x7c: {  	[sflag:s30] =	ssyncset.done $0x0  }
0x7d: {  	s24 =	simm.s32 $0x300;
	[sflag:s30] =	ssyncadd.s32 $0xFFFFE000  }
0x7e: {  	[tilespmem:s1], [sflag:$0x3] =	stream.indirect.gather [hbm4b:s0+s21], $0x40, s24, s21, $0xb8;
	[tilespmem:$0x19D80] =	vst v63  }
0x7f: {  	_ =	swait.ge [sflag:s4], $0x2000  }
0x80: {  	[sflag:s4] =	ssyncset.done $0x0  }
0x81: {  	s12 =	simm.s32 $0x2980;
	[sflag:s4] =	ssyncadd.s32 $0xFFFFE000  }
0x82: {  	[spmem:s2] =	stream.indirect.scatter.add.bf16 [tilespmem:s16], [sflag:$0x8], $0x40, s12, s21, $0xb8;
	[tilespmem:$0x19D80] =	vst v63  }
0x83: {  	s11 =	simm.s32 @!p0 $0x2980  }
0x84: {  	[spmem:s3] =	stream.indirect.scatter.add.f32 @!p0 [tilespmem:s9], [sflag:$0x9], $0x10, s11, s8, $0xb8;
	[tilespmem:$0x19D80] =	vst v63  }
0x85: {  	_ =	swait.ge @!p0 [sflag:s7], $0x800  }
0x86: {  	[sflag:s7] =	ssyncset.done @!p0 $0x0  }
0x87: {  	[sflag:s7] =	ssyncadd.s32 @!p0 $0xFFFFF800  }
0x88: {  	_ =	swait.ge [sflag:s22], $0x2000  }
0x89: {  	[sflag:s22] =	ssyncset.done $0x0  }
0x8a: {  	s13 =	simm.s32 $0x380;
	[sflag:s22] =	ssyncadd.s32 $0xFFFFE000  }
0x8b: {  	[tilespmem:s16], [sflag:$0x4] =	stream.indirect.gather [hbm4b:s0+s21], $0x40, s13, s21, $0xb8;
	[tilespmem:$0x19D80] =	vst v63  }
0x8c: {  	_ =	swait.ge [sflag:s28], $0x2000  }
0x8d: {  	[sflag:s28] =	ssyncset.done $0x0  }
0x8e: {  	s11 =	simm.s32 $0x2A00;
	[sflag:s28] =	ssyncadd.s32 $0xFFFFE000  }
0x8f: {  	[spmem:s2] =	stream.indirect.scatter.add.bf16 [tilespmem:s23], [sflag:$0x5], $0x40, s11, s21, $0xb8;
	[tilespmem:$0x19D80] =	vst v63  }
0x90: {  	_ = 	snop  }
0x91: {  	[spmem:s3] =	stream.indirect.scatter.add.f32 @!p0 [tilespmem:s9], [sflag:$0xA], $0x10, s11, s8, $0xb8;
	[tilespmem:$0x19D80] =	vst v63  }
0x92: {  	_ =	swait.ge @!p0 [sflag:s10], $0x800  }
0x93: {  	[sflag:s10] =	ssyncset.done @!p0 $0x0  }
0x94: {  	[sflag:s10] =	ssyncadd.s32 @!p0 $0xFFFFF800  }
0x95: {  	_ =	swait.ge [sflag:s20], $0x2000  }
0x96: {  	[sflag:s20] =	ssyncset.done $0x0  }
0x97: {  	s18 =	simm.s32 $0x400;
	[sflag:s20] =	ssyncadd.s32 $0xFFFFE000  }
0x98: {  	[tilespmem:s23], [sflag:$0x1] =	stream.indirect.gather [hbm4b:s0+s21], $0x40, s18, s21, $0xb8;
	[tilespmem:$0x19D80] =	vst v63  }
0x99: {  	_ =	swait.ge [sflag:s26], $0x2000  }
0x9a: {  	[sflag:s26] =	ssyncset.done $0x0  }
0x9b: {  	s11 =	simm.s32 $0x2A80;
	[sflag:s26] =	ssyncadd.s32 $0xFFFFE000  }
0x9c: {  	[spmem:s2] =	stream.indirect.scatter.add.bf16 [tilespmem:s29], [sflag:$0x6], $0x40, s11, s21, $0xb8;
	[tilespmem:$0x19D80] =	vst v63  }
0x9d: {  	_ = 	snop  }
0x9e: {  	[spmem:s3] =	stream.indirect.scatter.add.f32 @!p0 [tilespmem:s9], [sflag:$0xA], $0x10, s11, s8, $0xb8;
	[tilespmem:$0x19D80] =	vst v63  }
0x9f: {  	_ =	swait.ge @!p0 [sflag:s10], $0x800  }
0xa0: {  	[sflag:s10] =	ssyncset.done @!p0 $0x0  }
0xa1: {  	[sflag:s10] =	ssyncadd.s32 @!p0 $0xFFFFF800  }
0xa2: {  	_ =	swait.ge [sflag:s31], $0x2000  }
0xa3: {  	[sflag:s31] =	ssyncset.done $0x0  }
0xa4: {  	s19 =	simm.s32 $0x480;
	[sflag:s31] =	ssyncadd.s32 $0xFFFFE000  }
0xa5: {  	[tilespmem:s29], [sflag:$0x2] =	stream.indirect.gather [hbm4b:s0+s21], $0x40, s19, s21, $0xb8;
	[tilespmem:$0x19D80] =	vst v63  }
0xa6: {  	_ =	swait.ge [sflag:s15], $0x2000  }
0xa7: {  	[sflag:s15] =	ssyncset.done $0x0  }
0xa8: {  	s11 =	simm.s32 $0x2B00;
	[sflag:s15] =	ssyncadd.s32 $0xFFFFE000  }
0xa9: {  	[spmem:s2] =	stream.indirect.scatter.add.bf16 [tilespmem:s1], [sflag:$0x7], $0x40, s11, s21, $0xb8;
	[tilespmem:$0x19D80] =	vst v63  }
0xaa: {  	_ = 	snop  }
0xab: {  	[spmem:s3] =	stream.indirect.scatter.add.f32 @!p0 [tilespmem:s9], [sflag:$0xA], $0x10, s11, s8, $0xb8;
	[tilespmem:$0x19D80] =	vst v63  }
0xac: {  	_ =	swait.ge @!p0 [sflag:s10], $0x800  }
0xad: {  	[sflag:s10] =	ssyncset.done @!p0 $0x0  }
0xae: {  	[sflag:s10] =	ssyncadd.s32 @!p0 $0xFFFFF800  }
0xaf: {  	_ =	swait.ge [sflag:s30], $0x2000  }
0xb0: {  	[sflag:s30] =	ssyncset.done $0x0  }
0xb1: {  	s24 =	simm.s32 $0x500;
	[sflag:s30] =	ssyncadd.s32 $0xFFFFE000  }
0xb2: {  	[tilespmem:s1], [sflag:$0x3] =	stream.indirect.gather [hbm4b:s0+s21], $0x40, s24, s21, $0xb8;
	[tilespmem:$0x19D80] =	vst v63  }
0xb3: {  	_ =	swait.ge [sflag:s4], $0x2000  }
0xb4: {  	[sflag:s4] =	ssyncset.done $0x0  }
0xb5: {  	s11 =	simm.s32 $0x2B80;
	[sflag:s4] =	ssyncadd.s32 $0xFFFFE000  }
0xb6: {  	[spmem:s2] =	stream.indirect.scatter.add.bf16 [tilespmem:s16], [sflag:$0x8], $0x40, s11, s21, $0xb8;
	[tilespmem:$0x19D80] =	vst v63  }
0xb7: {  	_ = 	snop  }
0xb8: {  	[spmem:s3] =	stream.indirect.scatter.add.f32 @!p0 [tilespmem:s9], [sflag:$0x9], $0x10, s11, s8, $0xb8;
	[tilespmem:$0x19D80] =	vst v63  }
0xb9: {  	_ =	swait.ge @!p0 [sflag:s7], $0x800  }
0xba: {  	s11 =	simm.s32 $0x800;
	[sflag:s7] =	ssyncset.done @!p0 $0x0  }
.LBB2_2:
0xbb: {  	[sflag:s7] =	ssyncadd.s32 @!p0 $0xFFFFF800;
	s12 =	smov.u32 s11;
	s11 =	sadd.s32 $0x800, s11  }
0xbc: {  	p1 =	sne.s32 s11, $0x9000  }
0xbd: {  	_ =	swait.ge [sflag:s22], $0x2000  }
0xbe: {  	s12 =	sshra.s32 s12, $0x2;
	[sflag:s22] =	ssyncset.done $0x0  }
0xbf: {  	s13 =	sadd.s32 $0x380, s12;
	[sflag:s22] =	ssyncadd.s32 $0xFFFFE000  }
0xc0: {  	[tilespmem:s16], [sflag:$0x4] =	stream.indirect.gather [hbm4b:s0+s21], $0x40, s13, s21, $0xb8;
	[tilespmem:$0x19D80] =	vst v63  }
0xc1: {  	_ =	swait.ge [sflag:s28], $0x2000  }
0xc2: {  	[sflag:s28] =	ssyncset.done $0x0  }
0xc3: {  	s13 =	sadd.s32 $0x2A00, s12;
	[sflag:s28] =	ssyncadd.s32 $0xFFFFE000  }
0xc4: {  	[spmem:s2] =	stream.indirect.scatter.add.bf16 [tilespmem:s23], [sflag:$0x5], $0x40, s13, s21, $0xb8;
	[tilespmem:$0x19D80] =	vst v63  }
0xc5: {  	_ = 	snop  }
0xc6: {  	[spmem:s3] =	stream.indirect.scatter.add.f32 @!p0 [tilespmem:s9], [sflag:$0xA], $0x10, s13, s8, $0xb8;
	[tilespmem:$0x19D80] =	vst v63  }
0xc7: {  	_ =	swait.ge @!p0 [sflag:s10], $0x800  }
0xc8: {  	[sflag:s10] =	ssyncset.done @!p0 $0x0  }
0xc9: {  	[sflag:s10] =	ssyncadd.s32 @!p0 $0xFFFFF800  }
0xca: {  	_ =	swait.ge [sflag:s20], $0x2000  }
0xcb: {  	[sflag:s20] =	ssyncset.done $0x0  }
0xcc: {  	s13 =	sadd.s32 $0x400, s12;
	[sflag:s20] =	ssyncadd.s32 $0xFFFFE000  }
0xcd: {  	[tilespmem:s23], [sflag:$0x1] =	stream.indirect.gather [hbm4b:s0+s21], $0x40, s13, s21, $0xb8;
	[tilespmem:$0x19D80] =	vst v63  }
0xce: {  	_ =	swait.ge [sflag:s26], $0x2000  }
0xcf: {  	[sflag:s26] =	ssyncset.done $0x0  }
0xd0: {  	s13 =	sadd.s32 $0x2A80, s12;
	[sflag:s26] =	ssyncadd.s32 $0xFFFFE000  }
0xd1: {  	[spmem:s2] =	stream.indirect.scatter.add.bf16 [tilespmem:s29], [sflag:$0x6], $0x40, s13, s21, $0xb8;
	[tilespmem:$0x19D80] =	vst v63  }
0xd2: {  	_ = 	snop  }
0xd3: {  	[spmem:s3] =	stream.indirect.scatter.add.f32 @!p0 [tilespmem:s9], [sflag:$0xA], $0x10, s13, s8, $0xb8;
	[tilespmem:$0x19D80] =	vst v63  }
0xd4: {  	_ =	swait.ge @!p0 [sflag:s10], $0x800  }
0xd5: {  	[sflag:s10] =	ssyncset.done @!p0 $0x0  }
0xd6: {  	[sflag:s10] =	ssyncadd.s32 @!p0 $0xFFFFF800  }
0xd7: {  	_ =	swait.ge [sflag:s31], $0x2000  }
0xd8: {  	[sflag:s31] =	ssyncset.done $0x0  }
0xd9: {  	s13 =	sadd.s32 $0x480, s12;
	[sflag:s31] =	ssyncadd.s32 $0xFFFFE000  }
0xda: {  	[tilespmem:s29], [sflag:$0x2] =	stream.indirect.gather [hbm4b:s0+s21], $0x40, s13, s21, $0xb8;
	[tilespmem:$0x19D80] =	vst v63  }
0xdb: {  	_ =	swait.ge [sflag:s15], $0x2000  }
0xdc: {  	[sflag:s15] =	ssyncset.done $0x0  }
0xdd: {  	s13 =	sadd.s32 $0x2B00, s12;
	[sflag:s15] =	ssyncadd.s32 $0xFFFFE000  }
0xde: {  	[spmem:s2] =	stream.indirect.scatter.add.bf16 [tilespmem:s1], [sflag:$0x7], $0x40, s13, s21, $0xb8;
	[tilespmem:$0x19D80] =	vst v63  }
0xdf: {  	_ = 	snop  }
0xe0: {  	[spmem:s3] =	stream.indirect.scatter.add.f32 @!p0 [tilespmem:s9], [sflag:$0xA], $0x10, s13, s8, $0xb8;
	[tilespmem:$0x19D80] =	vst v63  }
0xe1: {  	_ =	swait.ge @!p0 [sflag:s10], $0x800  }
0xe2: {  	[sflag:s10] =	ssyncset.done @!p0 $0x0  }
0xe3: {  	[sflag:s10] =	ssyncadd.s32 @!p0 $0xFFFFF800  }
0xe4: {  	_ =	swait.ge [sflag:s30], $0x2000  }
0xe5: {  	[sflag:s30] =	ssyncset.done $0x0  }
0xe6: {  	s13 =	sadd.s32 $0x500, s12;
	[sflag:s30] =	ssyncadd.s32 $0xFFFFE000  }
0xe7: {  	[tilespmem:s1], [sflag:$0x3] =	stream.indirect.gather [hbm4b:s0+s21], $0x40, s13, s21, $0xb8;
	[tilespmem:$0x19D80] =	vst v63  }
0xe8: {  	_ =	swait.ge [sflag:s4], $0x2000  }
0xe9: {  	[sflag:s4] =	ssyncset.done $0x0  }
0xea: {  	s12 =	sadd.s32 $0x2B80, s12;
	[sflag:s4] =	ssyncadd.s32 $0xFFFFE000  }
0xeb: {  	[spmem:s2] =	stream.indirect.scatter.add.bf16 [tilespmem:s16], [sflag:$0x8], $0x40, s12, s21, $0xb8;
	[tilespmem:$0x19D80] =	vst v63  }
.Ltmp0:
0xec: {  	_ = 	snop;
	(pc) =	sbr.rel @p1 .LBB2_2-.Ltmp0, $4  }
0xed: {  	_ = 	snop  }
0xee: {  	[spmem:s3] =	stream.indirect.scatter.add.f32 @!p0 [tilespmem:s9], [sflag:$0x9], $0x10, s12, s8, $0xb8;
	[tilespmem:$0x19D80] =	vst v63  }
0xef: {  	_ =	swait.ge @!p0 [sflag:s7], $0x800  }
0xf0: {  	[sflag:s7] =	ssyncset.done @!p0 $0x0  }
0xf1: {  	[sflag:s7] =	ssyncadd.s32 @!p0 $0xFFFFF800  }
0xf2: {  	_ =	swait.ge [sflag:s22], $0x2000  }
0xf3: {  	[sflag:s22] =	ssyncset.done $0x0  }
0xf4: {  	s11 =	simm.s32 $0x2780;
	[sflag:s22] =	ssyncadd.s32 $0xFFFFE000  }
0xf5: {  	[tilespmem:s16], [sflag:$0x4] =	stream.indirect.gather [hbm4b:s0+s21], $0x40, s11, s21, $0xb8;
	[tilespmem:$0x19D80] =	vst v63  }
0xf6: {  	_ =	swait.ge [sflag:s28], $0x2000  }
0xf7: {  	[sflag:s28] =	ssyncset.done $0x0  }
0xf8: {  	s12 =	simm.s32 $0x4E00;
	s7 =	simm.s32 @p0 $0x2;
	[sflag:s28] =	ssyncadd.s32 $0xFFFFE000  }
0xf9: {  	[spmem:s2] =	stream.indirect.scatter.add.bf16 [tilespmem:s23], [sflag:$0x5], $0x40, s12, s21, $0xb8;
	[tilespmem:$0x19D80] =	vst v63  }
0xfa: {  	_ =	swait.ge @p0 [sflag:s7], $0x2000  }
0xfb: {  	s8 =	simm.s32 @p0 $0x4E80;
	[sflag:s7] =	ssyncset.done @p0 $0x0  }
0xfc: {  	s9 =	simm.s32 @p0 $0x7000;
	[sflag:s7] =	ssyncadd.s32 @p0 $0xFFFFE000;
	s7 =	simm.s32 @p0 $0x80  }
0xfd: {  	[spmem:s2] =	stream.indirect.scatter.add.bf16 @p0 [tilespmem:s9], [sflag:$0x6], $0x40, s8, s7, $0xb8;
	[tilespmem:$0x19D80] =	vst v63  }
0xfe: {  	s10 =	simm.s32 @!p0 $0xD000;
	s8 =	simm.s32 @!p0 $0x80;
	s9 =	simm.s32 @!p0 $0x4E00  }
0xff: {  	[spmem:s3] =	stream.indirect.scatter.add.f32 @!p0 [tilespmem:s10], [sflag:$0xA], $0x10, s9, s8, $0xb8;
	[tilespmem:$0x19D80] =	vst v63  }
0x100: {  	s9 =	simm.s32 @!p0 $0xA  }
0x101: {  	_ =	swait.ge @!p0 [sflag:s9], $0x800  }
0x102: {  	[sflag:s9] =	ssyncset.done @!p0 $0x0  }
0x103: {  	s11 =	simm.s32 @!p0 $0x2;
	[sflag:s9] =	ssyncadd.s32 @!p0 $0xFFFFF800  }
0x104: {  	_ =	swait.ge @!p0 [sflag:s11], $0x2000  }
0x105: {  	[sflag:s11] =	ssyncset.done @!p0 $0x0  }
0x106: {  	s12 =	simm.s32 @!p0 $0x7000;
	[sflag:s11] =	ssyncadd.s32 @!p0 $0xFFFFE000;
	s11 =	simm.s32 @!p0 $0x4E80  }
0x107: {  	[spmem:s2] =	stream.indirect.scatter.add.bf16 @!p0 [tilespmem:s12], [sflag:$0x6], $0x40, s11, s8, $0xb8;
	[tilespmem:$0x19D80] =	vst v63  }
0x108: {  	_ = 	snop  }
0x109: {  	[spmem:s3] =	stream.indirect.scatter.add.f32 @!p0 [tilespmem:s10], [sflag:$0xA], $0x10, s11, s8, $0xb8;
	[tilespmem:$0x19D80] =	vst v63  }
0x10a: {  	_ =	swait.ge @!p0 [sflag:s9], $0x800  }
0x10b: {  	[sflag:s9] =	ssyncset.done @!p0 $0x0  }
0x10c: {  	[sflag:s9] =	ssyncadd.s32 @!p0 $0xFFFFF800  }
0x10d: {  	_ =	swait.ge [sflag:s15], $0x2000  }
0x10e: {  	[sflag:s15] =	ssyncset.done $0x0  }
0x10f: {  	s13 =	simm.s32 $0x4F00;
	s11 =	simm.s32 @p0 $0x4;
	[sflag:s15] =	ssyncadd.s32 $0xFFFFE000  }
0x110: {  	[spmem:s2] =	stream.indirect.scatter.add.bf16 [tilespmem:s1], [sflag:$0x7], $0x40, s13, s21, $0xb8;
	[tilespmem:$0x19D80] =	vst v63  }
0x111: {  	_ =	swait.ge @p0 [sflag:s11], $0x2000  }
0x112: {  	[sflag:s11] =	ssyncset.done @p0 $0x0  }
0x113: {  	s12 =	simm.s32 @p0 $0xB000;
	[sflag:s11] =	ssyncadd.s32 @p0 $0xFFFFE000;
	s11 =	simm.s32 @p0 $0x4F80  }
0x114: {  	[spmem:s2] =	stream.indirect.scatter.add.bf16 @p0 [tilespmem:s12], [sflag:$0x8], $0x40, s11, s7, $0xb8;
	[tilespmem:$0x19D80] =	vst v63  }
0x115: {  	s7 =	simm.s32 @!p0 $0x4F00  }
0x116: {  	[spmem:s3] =	stream.indirect.scatter.add.f32 @!p0 [tilespmem:s10], [sflag:$0xA], $0x10, s7, s8, $0xb8;
	[tilespmem:$0x19D80] =	vst v63  }
0x117: {  	_ =	swait.ge @!p0 [sflag:s9], $0x800  }
0x118: {  	[sflag:s9] =	ssyncset.done @!p0 $0x0  }
0x119: {  	s7 =	simm.s32 @!p0 $0x4;
	[sflag:s9] =	ssyncadd.s32 @!p0 $0xFFFFF800  }
0x11a: {  	_ =	swait.ge @!p0 [sflag:s7], $0x2000  }
0x11b: {  	[sflag:s7] =	ssyncset.done @!p0 $0x0  }
0x11c: {  	s9 =	simm.s32 @!p0 $0xB000;
	[sflag:s7] =	ssyncadd.s32 @!p0 $0xFFFFE000;
	s7 =	simm.s32 @!p0 $0x4F80  }
0x11d: {  	[spmem:s2] =	stream.indirect.scatter.add.bf16 @!p0 [tilespmem:s9], [sflag:$0x8], $0x40, s7, s8, $0xb8;
	[tilespmem:$0x19D80] =	vst v63  }
0x11e: {  	_ = 	snop  }
0x11f: {  	[spmem:s3] =	stream.indirect.scatter.add.f32 @!p0 [tilespmem:s10], [sflag:$0x9], $0x10, s7, s8, $0xb8;
	[tilespmem:$0x19D80] =	vst v63  }
0x120: {  	s7 =	simm.s32 @!p0 $0x9  }
0x121: {  	_ =	swait.ge @!p0 [sflag:s7], $0x800  }
0x122: {  	[sflag:s7] =	ssyncset.done @!p0 $0x0  }
0x123: {  	[sflag:s7] =	ssyncadd.s32 @!p0 $0xFFFFF800  }
0x124: {  	_ =	swait.ge [sflag:s20], $0x2000  }
0x125: {  	[sflag:s20] =	ssyncset.done $0x0  }
0x126: {  	[sflag:s20] =	ssyncadd.s32 $0xFFFFE000  }
0x127: {  	_ =	swait.ge [sflag:s31], $0x2000  }
0x128: {  	[sflag:s31] =	ssyncset.done $0x0  }
0x129: {  	[sflag:s31] =	ssyncadd.s32 $0xFFFFE000  }
0x12a: {  	_ =	swait.ge [sflag:s30], $0x2000  }
0x12b: {  	[sflag:s30] =	ssyncset.done $0x0  }
0x12c: {  	[sflag:s30] =	ssyncadd.s32 $0xFFFFE000  }
0x12d: {  	_ =	swait.ge [sflag:s22], $0x2000  }
0x12e: {  	[sflag:s22] =	ssyncset.done $0x0  }
0x12f: {  	[sflag:s22] =	ssyncadd.s32 $0xFFFFE000  }
0x130: {  	[bflag:$0x0] =	sbarrier.arrive $0xFFFF  }
0x131: {  	s18 =	rddreg [dreg:$0xd]  }
0x132: {  	s19 =	rddreg [dreg:$0x12]  }
0x133: {  	[hbm:s18], [sflag:s17] =	dma.local [spmem:s19], $0x1388  }
0x134: {  	_ =	swait.ge [sflag:s14], $0x1388  }
0x135: {  	[sflag:s14] =	ssyncset.done $0x0  }
0x136: {  	s8 =	rddreg [dreg:$0xe];
	[sflag:s14] =	ssyncadd.s32 $0xFFFFEC78  }
0x137: {  	[hbm:s8], [sflag:s17] =	dma.local @!p0 [spmem:s25], $0x4F0  }
0x138: {  	_ =	swait.ge @!p0 [sflag:s7], $0x4F0  }
0x139: {  	s6 =	sadd.s32 $0x1, s6;
	s24 =	rddreg [dreg:$0xf]  }
0x13a: {  	p1 =	sne.s32 s6, s24  }
.Ltmp1:
0x13b: {  	_ = 	snop;
	(pc) =	sbr.rel @p1 .LBB2_1-.Ltmp1, $3  }
0x13c: {  	_ =	sdelay $0x1  }
0x13d: {  	[sflag:s7] =	ssyncset.done @!p0 $0x0  }
0x13e: {  	[sflag:s7] =	ssyncadd.s32 @!p0 $0xFFFFFB10  }
0x13f: {  	_ =	sfence.sel $0x180000  }
0x140: {  	[bflag:$0x0] =	sbarrier.arrive $0xFFFF  }
0x141: {  	_ =	strace $0x90000047  }
0x142: {  	s0 =	stileid.u32;
	[bflag:$0x2] =	sbarrier.arrive $0xFFFF  }
0x143: {  	p0 =	sne.s32 s0, $0x0;
	s0 =	rddreg [dreg:$0x7]  }
0x144: {  	s0 =	sadd.s32 @!p0 $0x100000, s0  }
0x145: {  	[sflag:s0] =	ssyncadd.tile.s32 @!p0 $0x1;
	_ =	shalt  }
.Lfunc_end2:
_tile_overlayer_lowered:
.L_overlay_start_2:
0x146: {  	(tag) =	ssettag $0x2  }
0x147: {  	s0 =	rddreg [dreg:$0x0];
	s2 =	stileid.u32  }
0x148: {  	s1 =	rddreg [dreg:$0x1];
	p0 =	sne.s32 s2, $0x0  }
0x149: {  	s3 =	rddreg [dreg:$0x2];
	[bflag:$0x3] =	sbarrier.arrive $0xFFFF;
	s2 =	simm.s32 @!p0 $0x1C09  }
0x14a: {  	[timem:s3], [sflag:s2] =	dma.local @!p0 [hbm:s0], s1  }
0x14b: {  	s0 =	simm.s32 @!p0 $0x9  }
0x14c: {  	_ =	swait.ge @!p0 [sflag:s0], s1  }
0x14d: {  	s1 =	ssub.s32 @!p0 $0x0, s1;
	[sflag:s0] =	ssyncset.done @!p0 $0x0  }
0x14e: {  	[sflag:s0] =	ssyncadd.s32 @!p0 s1  }
0x14f: {  	[bflag:$0x3] =	sbarrier.arrive $0xFFFF  }
0x150: {  	_ =	shalt  }

</sc_bundles>
